<compile_context>
chip_gen: v7x
topology: tpu7x:2x2x1
jax: 0.10.2.dev20260603
libtpu: 0.0.44.dev20260713+nightly
codegen_flags: <defaults>
</compile_context>

<pallas_src>
import jax
import jax.numpy as jnp
from jax import lax
from jax.experimental import pallas as pl
from jax.experimental.pallas import tpu as pltpu
from jax.experimental.pallas import tpu_sc as plsc

N_NODES = 1_000_000
MEM_DIM = 64
BATCH = 16384

NC = 2
NS = 16
L = 16
NW = NC * NS
LOGR = 20 - (NW.bit_length() - 1)
RANGE = 1 << LOGR
CHUNK = 128
EBUF = BATCH + CHUNK
NV = BATCH // L


def _body(
    idx_hbm, val_hbm, out_hbm, idx_v, tab_v, jb_v, wb_v, cnts_v, offs_v,
    rows_v, sem,
):
    c = lax.axis_index("c")
    s = lax.axis_index("s")
    wid = s * NC + c

    pltpu.sync_copy(idx_hbm, idx_v)

    iota = lax.iota(jnp.int32, L)
    lane0 = iota == 0

    @plsc.parallel_loop(0, NV, unroll=4)
    def _count(i):
        v = idx_v[pl.ds(i * L, L)]
        m = lax.shift_right_logical(v, LOGR) == wid
        pc = plsc.all_reduce_population_count(m)
        plsc.store_compressed(cnts_v.at[pl.ds(i, L)], pc, mask=lane0)

    def psum(k, carry):
        cv = cnts_v[pl.ds(k * L, L)]
        sv = plsc.cumsum(cv)
        offs_v[pl.ds(k * L, L)] = carry + (sv - cv)
        return carry + sv[L - 1]

    cnt = lax.fori_loop(0, NV // L, psum, jnp.int32(0))

    def scan_tab(g, _):
        cv = cnts_v[pl.ds(g * L, L)]
        ov = offs_v[pl.ds(g * L, L)]
        for q in range(L):
            i = g * L + q
            p = cv[q]

            @pl.when(p > 0)
            def _work(i=i, p=p, off=ov[q]):
                v = idx_v[pl.ds(i * L, L)]
                pos = iota + i * L
                m = lax.shift_right_logical(v, LOGR) == wid
                loc = lax.bitwise_and(v, RANGE - 1)
                plsc.store_scatter(tab_v, [loc], pos, mask=m)
                plsc.store_compressed(jb_v.at[pl.ds(off, L)], pos, mask=m)
                plsc.store_compressed(wb_v.at[pl.ds(off, L)], loc, mask=m)

                @pl.when(p > 1)
                def _fix():
                    def wbody(_):
                        gg = plsc.load_gather(tab_v, [loc], mask=m)
                        need = jnp.logical_and(m, pos > gg)
                        plsc.store_scatter(tab_v, [loc], pos, mask=need)
                        return plsc.all_reduce_population_count(need)[0]

                    lax.while_loop(lambda n: n > 0, wbody, jnp.int32(1))

        return _

    lax.fori_loop(0, NV // L, scan_tab, 0)

    wb_v[pl.ds(cnt, L)] = jnp.zeros((L,), jnp.int32)

    def resolve(k, _):
        loc = wb_v[pl.ds(k * L, L)]
        wb_v[pl.ds(k * L, L)] = plsc.load_gather(tab_v, [loc])
        return _

    nent = lax.shift_right_logical(cnt + (L - 1), 4)
    lax.fori_loop(0, nent, resolve, 0)

    for q in range(CHUNK // L):
        pad = iota + q * L
        jb_v[pl.ds(cnt + q * L, L)] = pad + BATCH
        wb_v[pl.ds(cnt + q * L, L)] = pad + (wid * CHUNK)

    nch = lax.shift_right_logical(cnt + CHUNK - 1, 7)

    def chunk(k, _):
        off = k * CHUNK
        pltpu.async_copy(
            val_hbm.at[wb_v.at[pl.ds(off, CHUNK)]], rows_v, sem
        ).wait()
        pltpu.async_copy(
            rows_v, out_hbm.at[jb_v.at[pl.ds(off, CHUNK)]], sem
        ).wait()
        return _

    lax.fori_loop(0, nch, chunk, 0)


_sc_call = pl.kernel(
    _body,
    out_type=jax.ShapeDtypeStruct((BATCH + CHUNK, MEM_DIM), jnp.float32),
    mesh=plsc.VectorSubcoreMesh(
        core_axis_name="c", subcore_axis_name="s", num_cores=NC
    ),
    scratch_types=[
        pltpu.VMEM((BATCH,), jnp.int32),
        pltpu.VMEM((RANGE,), jnp.int32),
        pltpu.VMEM((EBUF,), jnp.int32),
        pltpu.VMEM((EBUF,), jnp.int32),
        pltpu.VMEM((NV + L,), jnp.int32),
        pltpu.VMEM((NV + L,), jnp.int32),
        pltpu.VMEM((CHUNK, MEM_DIM), jnp.float32),
        pltpu.SemaphoreType.DMA,
    ],
    compiler_params=pltpu.CompilerParams(
        needs_layout_passes=False, use_tc_tiling_on_sc=False
    ),
)


def kernel(memory, node_idxs, values):
    del memory
    out = _sc_call(node_idxs.astype(jnp.int32), values)
    return out[:BATCH]

# --- scband reference (transcript-rebuilt; emitter-appended) ---
"""Pipeline reference for scband-memory-42657615184289 (READ-ONLY COPY).

The authoritative reference and input builder live on the scoring server;
editing this copy changes nothing except your own understanding.
"""

import jax, jax.numpy as jnp
import numpy as np

N_NODES = 1000000
MEM_DIM = 64
BATCH = 16384


def setup_inputs(seed: int = 0) -> dict:
    key = jax.random.key(seed)
    k_idx, k_val = jax.random.split(key, 2)
    # Memory table is initialized to zeros per __init_memory__ (nn.Parameter of zeros)
    memory = jnp.zeros((N_NODES, MEM_DIM), dtype=jnp.float32)
    node_idxs = jax.random.randint(k_idx, (BATCH,), 0, N_NODES, dtype=jnp.int64 if jax.config.jax_enable_x64 else jnp.int32)
    values = jax.random.normal(k_val, (BATCH, MEM_DIM), dtype=jnp.float32)
    return {"memory": memory, "node_idxs": node_idxs, "values": values}


def reference(memory, node_idxs, values):
    # Faithful to Memory.set_memory: self.memory[node_idxs, :] = values (scatter-overwrite)
    new_memory = memory.at[node_idxs].set(values)
    # Followed by Memory.get_memory: return self.memory[node_idxs, :] (gather)
    out = new_memory[node_idxs, :]
    return out

if __name__ == "__main__":
    import jax
    _d = setup_inputs()
    print(jax.jit(kernel)(*tuple(_d.values())))

</pallas_src>

<mosaic_0001>
#map = affine_map<(d0, d1) -> (0)>
#map1 = affine_map<(d0, d1) -> (0, 0)>
module attributes {stable_mosaic.version = 14 : i64} {
  func.func @_body(%arg0: i32, %arg1: i32, %arg2: memref<16384xi32, #tpu.memory_space<hbm>>, %arg3: memref<16384x64xf32, #tpu.memory_space<hbm>>, %arg4: memref<16512x64xf32, #tpu.memory_space<hbm>>, %arg5: memref<16384xi32, #tpu.memory_space<vmem>>, %arg6: memref<32768xi32, #tpu.memory_space<vmem>>, %arg7: memref<16512xi32, #tpu.memory_space<vmem>>, %arg8: memref<16512xi32, #tpu.memory_space<vmem>>, %arg9: memref<1040xi32, #tpu.memory_space<vmem>>, %arg10: memref<1040xi32, #tpu.memory_space<vmem>>, %arg11: memref<128x64xf32, #tpu.memory_space<vmem>>, %arg12: memref<!tpu.dma_semaphore, #tpu.memory_space<semaphore_mem>>) attributes {dimension_semantics = [#tpu.dimension_semantics<core_parallel>, #tpu.dimension_semantics<subcore_parallel>], iteration_bounds = array<i64: 2, 16>, scalar_prefetch = 0 : i64, scratch_operands = 8 : i64, tpu.core_type = #tpu.core_type<sc_vector_subcore>, window_params = [{transform_indices = #map}, {transform_indices = #map1}, {transform_indices = #map1}]} {
    %mul3A = arith.constant 2 : i32
    %mul3A_0 = arith.muli %arg1, %mul3A : i32
    %add3A = arith.addi %mul3A_0, %arg0 : i32
    "tpu.region"() ({
      %run_scoped3A = tpu.sem_alloc : memref<!tpu.dma_semaphore, #tpu.memory_space<semaphore_mem>>
      tpu.enqueue_dma source(%arg2 : memref<16384xi32, #tpu.memory_space<hbm>>) target(%arg5 : memref<16384xi32, #tpu.memory_space<vmem>>) target_semaphore(%run_scoped3A : memref<!tpu.dma_semaphore, #tpu.memory_space<semaphore_mem>>)
      tpu.wait_dma2 semaphore(%run_scoped3A : memref<!tpu.dma_semaphore, #tpu.memory_space<semaphore_mem>>) src(%arg2 : memref<16384xi32, #tpu.memory_space<hbm>>) dst(%arg5 : memref<16384xi32, #tpu.memory_space<vmem>>)
      tpu.yield
    }) : () -> ()
    %iota3A = tpu.iota {dimensions = array<i32: 0>} : vector<16xi32>
    %eq3A = arith.constant 0 : i32
    %eq3A_1 = vector.broadcast %eq3A : i32 to vector<16xi32>
    %eq3A_2 = arith.cmpi eq, %iota3A, %eq3A_1 : vector<16xi32>
    %parallel_loop3A = arith.constant 0 : i32
    %parallel_loop3A_3 = arith.constant 1024 : i32
    %parallel_loop3A_4 = arith.constant 1 : i32
    scf.for %parallel_loop3A_190 = %parallel_loop3A to %parallel_loop3A_3 step %parallel_loop3A_4  : i32 {
      %parallel_loop3A_191 = arith.constant 16 : i32
      %parallel_loop3A_192 = arith.muli %parallel_loop3A_190, %parallel_loop3A_191 : i32
      %parallel_loop3A_193 = arith.index_cast %parallel_loop3A_192 : i32 to index
      %parallel_loop3A_194 = tpu.vector_load %arg5[%parallel_loop3A_193] {strides = array<i32>} : memref<16384xi32, #tpu.memory_space<vmem>>, vector<16xi32>,
      %parallel_loop3A_195 = arith.constant 15 : i32
      %parallel_loop3A_196 = vector.broadcast %parallel_loop3A_195 : i32 to vector<16xi32>
      %parallel_loop3A_197 = arith.shrui %parallel_loop3A_194, %parallel_loop3A_196 : vector<16xi32>
      %parallel_loop3A_198 = vector.broadcast %add3A : i32 to vector<16xi32>
      %parallel_loop3A_199 = arith.cmpi eq, %parallel_loop3A_197, %parallel_loop3A_198 : vector<16xi32>
      %parallel_loop3A_200 = tpu.all_reduce %parallel_loop3A_199 {dim = 0 : i64, kind = #tpu.reduction_kind<sum>} : vector<16xi1> -> vector<16xi32>
      %parallel_loop3A_201 = arith.index_cast %parallel_loop3A_190 : i32 to index
      %parallel_loop3A_202 = tpu.vector_load %arg9[%parallel_loop3A_201] masked %eq3A_2 {strides = array<i32>} : memref<1040xi32, #tpu.memory_space<vmem>>, vector<16xi32>, vector<16xi1>
      tpu.vector_store %arg9[%parallel_loop3A_201], %parallel_loop3A_200 masked %eq3A_2 {strides = array<i32>} : memref<1040xi32, #tpu.memory_space<vmem>>, vector<16xi32>, vector<16xi1>
    } {sc.loop_unroll_factor = 4 : i64, sc.parallel_access}
    %scan3A = arith.constant 0 : i32
    %scan3A_5 = arith.constant 0 : i32
    %scan3A_6 = arith.constant 64 : i32
    %scan3A_7 = arith.addi %scan3A_5, %scan3A_6 : i32
    %scan3A_8 = arith.constant 1 : i32
    %scan3A_9 = scf.for %scan3A_190 = %scan3A_5 to %scan3A_7 step %scan3A_8 iter_args(%scan3A_191 = %scan3A) -> (i32)  : i32 {
      %mul3A_192 = arith.constant 16 : i32
      %mul3A_193 = arith.muli %scan3A_190, %mul3A_192 : i32
      %get3A = arith.index_cast %mul3A_193 : i32 to index
      %get3A_194 = tpu.vector_load %arg9[%get3A] {strides = array<i32>} : memref<1040xi32, #tpu.memory_space<vmem>>, vector<16xi32>,
      %broadcast_in_dim3A_195 = arith.constant true
      %broadcast_in_dim3A_196 = vector.broadcast %broadcast_in_dim3A_195 : i1 to vector<16xi1>
      %masked_cumsum3A = tpu.scan <sum>, %get3A_194 masked %broadcast_in_dim3A_196 : vector<16xi32>, vector<16xi1> -> vector<16xi32>
      %sub3A_197 = arith.subi %masked_cumsum3A, %get3A_194 : vector<16xi32>
      %add3A_198 = vector.broadcast %scan3A_191 : i32 to vector<16xi32>
      %add3A_199 = arith.addi %add3A_198, %sub3A_197 : vector<16xi32>
      %mul3A_200 = arith.constant 16 : i32
      %mul3A_201 = arith.muli %scan3A_190, %mul3A_200 : i32
      %swap3A_202 = arith.index_cast %mul3A_201 : i32 to index
      %swap3A_203 = tpu.vector_load %arg10[%swap3A_202] {strides = array<i32>} : memref<1040xi32, #tpu.memory_space<vmem>>, vector<16xi32>,
      tpu.vector_store %arg10[%swap3A_202], %add3A_199 {strides = array<i32>} : memref<1040xi32, #tpu.memory_space<vmem>>, vector<16xi32>,
      %slice3A = vector.extract_strided_slice %masked_cumsum3A {offsets = [15], sizes = [1], strides = [1]} : vector<16xi32> to vector<1xi32>
      %squeeze3A = vector.extract %slice3A[0] : i32 from vector<1xi32>
      %add3A_204 = arith.addi %scan3A_191, %squeeze3A : i32
      scf.yield %add3A_204 : i32
    }
    %scan3A_10 = arith.constant 64 : i32
    %scan3A_11 = arith.constant 0 : i32
    %scan3A_12 = arith.constant 0 : i32
    %scan3A_13 = arith.constant 64 : i32
    %scan3A_14 = arith.addi %scan3A_12, %scan3A_13 : i32
    %scan3A_15 = arith.constant 1 : i32
    scf.for %scan3A_190 = %scan3A_12 to %scan3A_14 step %scan3A_15  : i32 {
      %mul3A_191 = arith.constant 16 : i32
      %mul3A_192 = arith.muli %scan3A_190, %mul3A_191 : i32
      %get3A = arith.index_cast %mul3A_192 : i32 to index
      %get3A_193 = tpu.vector_load %arg9[%get3A] {strides = array<i32>} : memref<1040xi32, #tpu.memory_space<vmem>>, vector<16xi32>,
      %mul3A_194 = arith.constant 16 : i32
      %mul3A_195 = arith.muli %scan3A_190, %mul3A_194 : i32
      %get3A_196 = arith.index_cast %mul3A_195 : i32 to index
      %get3A_197 = tpu.vector_load %arg10[%get3A_196] {strides = array<i32>} : memref<1040xi32, #tpu.memory_space<vmem>>, vector<16xi32>,
      %mul3A_198 = arith.constant 16 : i32
      %mul3A_199 = arith.muli %scan3A_190, %mul3A_198 : i32
      %add3A_200 = arith.constant 0 : i32
      %add3A_201 = arith.addi %mul3A_199, %add3A_200 : i32
      %slice3A = vector.extract_strided_slice %get3A_193 {offsets = [0], sizes = [1], strides = [1]} : vector<16xi32> to vector<1xi32>
      %squeeze3A = vector.extract %slice3A[0] : i32 from vector<1xi32>
      %gt3A = arith.constant 0 : i32
      %gt3A_202 = arith.cmpi sgt, %squeeze3A, %gt3A : i32
      %slice3A_203 = vector.extract_strided_slice %get3A_197 {offsets = [0], sizes = [1], strides = [1]} : vector<16xi32> to vector<1xi32>
      %squeeze3A_204 = vector.extract %slice3A_203[0] : i32 from vector<1xi32>
      %convert_element_type3A = arith.extui %gt3A_202 : i1 to i32
      %cond3A = arith.constant 0 : i32
      %cond3A_205 = arith.cmpi ne, %convert_element_type3A, %cond3A : i32
      scf.if %cond3A_205 {
        %mul3A_401 = arith.constant 16 : i32
        %mul3A_402 = arith.muli %add3A_201, %mul3A_401 : i32
        %get3A_403 = arith.index_cast %mul3A_402 : i32 to index
        %get3A_404 = tpu.vector_load %arg5[%get3A_403] {strides = array<i32>} : memref<16384xi32, #tpu.memory_space<vmem>>, vector<16xi32>,
        %mul3A_405 = arith.constant 16 : i32
        %mul3A_406 = arith.muli %add3A_201, %mul3A_405 : i32
        %add3A_407 = vector.broadcast %mul3A_406 : i32 to vector<16xi32>
        %add3A_408 = arith.addi %iota3A, %add3A_407 : vector<16xi32>
        %shift_right_logical3A_409 = arith.constant 15 : i32
        %shift_right_logical3A_410 = vector.broadcast %shift_right_logical3A_409 : i32 to vector<16xi32>
        %shift_right_logical3A_411 = arith.shrui %get3A_404, %shift_right_logical3A_410 : vector<16xi32>
        %eq3A_412 = vector.broadcast %add3A : i32 to vector<16xi32>
        %eq3A_413 = arith.cmpi eq, %shift_right_logical3A_411, %eq3A_412 : vector<16xi32>
        %and3A = arith.constant 32767 : i32
        %and3A_414 = vector.broadcast %and3A : i32 to vector<16xi32>
        %and3A_415 = arith.andi %get3A_404, %and3A_414 : vector<16xi32>
        tpu.vector_store_idx %arg6[%and3A_415], %add3A_408 masked %eq3A_413 : memref<32768xi32, #tpu.memory_space<vmem>>[vector<16xi32>], vector<16xi32>, vector<16xi1>
        %swap3A_416 = arith.index_cast %squeeze3A_204 : i32 to index
        %swap3A_417 = tpu.vector_load %arg7[%swap3A_416] masked %eq3A_413 {strides = array<i32>} : memref<16512xi32, #tpu.memory_space<vmem>>, vector<16xi32>, vector<16xi1>
        tpu.vector_store %arg7[%swap3A_416], %add3A_408 masked %eq3A_413 {strides = array<i32>} : memref<16512xi32, #tpu.memory_space<vmem>>, vector<16xi32>, vector<16xi1>
        %swap3A_418 = arith.index_cast %squeeze3A_204 : i32 to index
        %swap3A_419 = tpu.vector_load %arg8[%swap3A_418] masked %eq3A_413 {strides = array<i32>} : memref<16512xi32, #tpu.memory_space<vmem>>, vector<16xi32>, vector<16xi1>
        tpu.vector_store %arg8[%swap3A_418], %and3A_415 masked %eq3A_413 {strides = array<i32>} : memref<16512xi32, #tpu.memory_space<vmem>>, vector<16xi32>, vector<16xi1>
        %gt3A_420 = arith.constant 1 : i32
        %gt3A_421 = arith.cmpi sgt, %squeeze3A, %gt3A_420 : i32
        %convert_element_type3A_422 = arith.extui %gt3A_421 : i1 to i32
        %cond3A_423 = arith.constant 0 : i32
        %cond3A_424 = arith.cmpi ne, %convert_element_type3A_422, %cond3A_423 : i32
        scf.if %cond3A_424 {
          %while3A_425 = arith.constant 1 : i32
          %while3A_426 = scf.while (%while3A_427 = %while3A_425) : (i32) -> i32 {
            %gt3A_428 = arith.constant 0 : i32
            %gt3A_429 = arith.cmpi sgt, %while3A_427, %gt3A_428 : i32
            scf.condition(%gt3A_429) %while3A_427 : i32
          } do {
          ^bb0(%while3A_427: i32):
            %gather3A = tpu.vector_load_idx %arg6[%and3A_415] masked %eq3A_413 : memref<32768xi32, #tpu.memory_space<vmem>>[vector<16xi32>], vector<16xi32>, vector<16xi1>
            %gt3A_428 = arith.cmpi sgt, %add3A_408, %gather3A : vector<16xi32>
            %and3A_429 = arith.andi %eq3A_413, %gt3A_428 : vector<16xi1>
            tpu.vector_store_idx %arg6[%and3A_415], %add3A_408 masked %and3A_429 : memref<32768xi32, #tpu.memory_space<vmem>>[vector<16xi32>], vector<16xi32>, vector<16xi1>
            %all_reduce_population_count3A = tpu.all_reduce %and3A_429 {dim = 0 : i64, kind = #tpu.reduction_kind<sum>} : vector<16xi1> -> vector<16xi32>
            %slice3A_430 = vector.extract_strided_slice %all_reduce_population_count3A {offsets = [0], sizes = [1], strides = [1]} : vector<16xi32> to vector<1xi32>
            %squeeze3A_431 = vector.extract %slice3A_430[0] : i32 from vector<1xi32>
            scf.yield %squeeze3A_431 : i32
          }
        } else {
        }
      } else {
      }
      %mul3A_206 = arith.constant 16 : i32
      %mul3A_207 = arith.muli %scan3A_190, %mul3A_206 : i32
      %add3A_208 = arith.constant 1 : i32
      %add3A_209 = arith.addi %mul3A_207, %add3A_208 : i32
      %slice3A_210 = vector.extract_strided_slice %get3A_193 {offsets = [1], sizes = [1], strides = [1]} : vector<16xi32> to vector<1xi32>
      %squeeze3A_211 = vector.extract %slice3A_210[0] : i32 from vector<1xi32>
      %gt3A_212 = arith.constant 0 : i32
      %gt3A_213 = arith.cmpi sgt, %squeeze3A_211, %gt3A_212 : i32
      %slice3A_214 = vector.extract_strided_slice %get3A_197 {offsets = [1], sizes = [1], strides = [1]} : vector<16xi32> to vector<1xi32>
      %squeeze3A_215 = vector.extract %slice3A_214[0] : i32 from vector<1xi32>
      %convert_element_type3A_216 = arith.extui %gt3A_213 : i1 to i32
      %cond3A_217 = arith.constant 0 : i32
      %cond3A_218 = arith.cmpi ne, %convert_element_type3A_216, %cond3A_217 : i32
      scf.if %cond3A_218 {
        %mul3A_401 = arith.constant 16 : i32
        %mul3A_402 = arith.muli %add3A_209, %mul3A_401 : i32
        %get3A_403 = arith.index_cast %mul3A_402 : i32 to index
        %get3A_404 = tpu.vector_load %arg5[%get3A_403] {strides = array<i32>} : memref<16384xi32, #tpu.memory_space<vmem>>, vector<16xi32>,
        %mul3A_405 = arith.constant 16 : i32
        %mul3A_406 = arith.muli %add3A_209, %mul3A_405 : i32
        %add3A_407 = vector.broadcast %mul3A_406 : i32 to vector<16xi32>
        %add3A_408 = arith.addi %iota3A, %add3A_407 : vector<16xi32>
        %shift_right_logical3A_409 = arith.constant 15 : i32
        %shift_right_logical3A_410 = vector.broadcast %shift_right_logical3A_409 : i32 to vector<16xi32>
        %shift_right_logical3A_411 = arith.shrui %get3A_404, %shift_right_logical3A_410 : vector<16xi32>
        %eq3A_412 = vector.broadcast %add3A : i32 to vector<16xi32>
        %eq3A_413 = arith.cmpi eq, %shift_right_logical3A_411, %eq3A_412 : vector<16xi32>
        %and3A = arith.constant 32767 : i32
        %and3A_414 = vector.broadcast %and3A : i32 to vector<16xi32>
        %and3A_415 = arith.andi %get3A_404, %and3A_414 : vector<16xi32>
        tpu.vector_store_idx %arg6[%and3A_415], %add3A_408 masked %eq3A_413 : memref<32768xi32, #tpu.memory_space<vmem>>[vector<16xi32>], vector<16xi32>, vector<16xi1>
        %swap3A_416 = arith.index_cast %squeeze3A_215 : i32 to index
        %swap3A_417 = tpu.vector_load %arg7[%swap3A_416] masked %eq3A_413 {strides = array<i32>} : memref<16512xi32, #tpu.memory_space<vmem>>, vector<16xi32>, vector<16xi1>
        tpu.vector_store %arg7[%swap3A_416], %add3A_408 masked %eq3A_413 {strides = array<i32>} : memref<16512xi32, #tpu.memory_space<vmem>>, vector<16xi32>, vector<16xi1>
        %swap3A_418 = arith.index_cast %squeeze3A_215 : i32 to index
        %swap3A_419 = tpu.vector_load %arg8[%swap3A_418] masked %eq3A_413 {strides = array<i32>} : memref<16512xi32, #tpu.memory_space<vmem>>, vector<16xi32>, vector<16xi1>
        tpu.vector_store %arg8[%swap3A_418], %and3A_415 masked %eq3A_413 {strides = array<i32>} : memref<16512xi32, #tpu.memory_space<vmem>>, vector<16xi32>, vector<16xi1>
        %gt3A_420 = arith.constant 1 : i32
        %gt3A_421 = arith.cmpi sgt, %squeeze3A_211, %gt3A_420 : i32
        %convert_element_type3A_422 = arith.extui %gt3A_421 : i1 to i32
        %cond3A_423 = arith.constant 0 : i32
        %cond3A_424 = arith.cmpi ne, %convert_element_type3A_422, %cond3A_423 : i32
        scf.if %cond3A_424 {
          %while3A_425 = arith.constant 1 : i32
          %while3A_426 = scf.while (%while3A_427 = %while3A_425) : (i32) -> i32 {
            %gt3A_428 = arith.constant 0 : i32
            %gt3A_429 = arith.cmpi sgt, %while3A_427, %gt3A_428 : i32
            scf.condition(%gt3A_429) %while3A_427 : i32
          } do {
          ^bb0(%while3A_427: i32):
            %gather3A = tpu.vector_load_idx %arg6[%and3A_415] masked %eq3A_413 : memref<32768xi32, #tpu.memory_space<vmem>>[vector<16xi32>], vector<16xi32>, vector<16xi1>
            %gt3A_428 = arith.cmpi sgt, %add3A_408, %gather3A : vector<16xi32>
            %and3A_429 = arith.andi %eq3A_413, %gt3A_428 : vector<16xi1>
            tpu.vector_store_idx %arg6[%and3A_415], %add3A_408 masked %and3A_429 : memref<32768xi32, #tpu.memory_space<vmem>>[vector<16xi32>], vector<16xi32>, vector<16xi1>
            %all_reduce_population_count3A = tpu.all_reduce %and3A_429 {dim = 0 : i64, kind = #tpu.reduction_kind<sum>} : vector<16xi1> -> vector<16xi32>
            %slice3A_430 = vector.extract_strided_slice %all_reduce_population_count3A {offsets = [0], sizes = [1], strides = [1]} : vector<16xi32> to vector<1xi32>
            %squeeze3A_431 = vector.extract %slice3A_430[0] : i32 from vector<1xi32>
            scf.yield %squeeze3A_431 : i32
          }
        } else {
        }
      } else {
      }
      %mul3A_219 = arith.constant 16 : i32
      %mul3A_220 = arith.muli %scan3A_190, %mul3A_219 : i32
      %add3A_221 = arith.constant 2 : i32
      %add3A_222 = arith.addi %mul3A_220, %add3A_221 : i32
      %slice3A_223 = vector.extract_strided_slice %get3A_193 {offsets = [2], sizes = [1], strides = [1]} : vector<16xi32> to vector<1xi32>
      %squeeze3A_224 = vector.extract %slice3A_223[0] : i32 from vector<1xi32>
      %gt3A_225 = arith.constant 0 : i32
      %gt3A_226 = arith.cmpi sgt, %squeeze3A_224, %gt3A_225 : i32
      %slice3A_227 = vector.extract_strided_slice %get3A_197 {offsets = [2], sizes = [1], strides = [1]} : vector<16xi32> to vector<1xi32>
      %squeeze3A_228 = vector.extract %slice3A_227[0] : i32 from vector<1xi32>
      %convert_element_type3A_229 = arith.extui %gt3A_226 : i1 to i32
      %cond3A_230 = arith.constant 0 : i32
      %cond3A_231 = arith.cmpi ne, %convert_element_type3A_229, %cond3A_230 : i32
      scf.if %cond3A_231 {
        %mul3A_401 = arith.constant 16 : i32
        %mul3A_402 = arith.muli %add3A_222, %mul3A_401 : i32
        %get3A_403 = arith.index_cast %mul3A_402 : i32 to index
        %get3A_404 = tpu.vector_load %arg5[%get3A_403] {strides = array<i32>} : memref<16384xi32, #tpu.memory_space<vmem>>, vector<16xi32>,
        %mul3A_405 = arith.constant 16 : i32
        %mul3A_406 = arith.muli %add3A_222, %mul3A_405 : i32
        %add3A_407 = vector.broadcast %mul3A_406 : i32 to vector<16xi32>
        %add3A_408 = arith.addi %iota3A, %add3A_407 : vector<16xi32>
        %shift_right_logical3A_409 = arith.constant 15 : i32
        %shift_right_logical3A_410 = vector.broadcast %shift_right_logical3A_409 : i32 to vector<16xi32>
        %shift_right_logical3A_411 = arith.shrui %get3A_404, %shift_right_logical3A_410 : vector<16xi32>
        %eq3A_412 = vector.broadcast %add3A : i32 to vector<16xi32>
        %eq3A_413 = arith.cmpi eq, %shift_right_logical3A_411, %eq3A_412 : vector<16xi32>
        %and3A = arith.constant 32767 : i32
        %and3A_414 = vector.broadcast %and3A : i32 to vector<16xi32>
        %and3A_415 = arith.andi %get3A_404, %and3A_414 : vector<16xi32>
        tpu.vector_store_idx %arg6[%and3A_415], %add3A_408 masked %eq3A_413 : memref<32768xi32, #tpu.memory_space<vmem>>[vector<16xi32>], vector<16xi32>, vector<16xi1>
        %swap3A_416 = arith.index_cast %squeeze3A_228 : i32 to index
        %swap3A_417 = tpu.vector_load %arg7[%swap3A_416] masked %eq3A_413 {strides = array<i32>} : memref<16512xi32, #tpu.memory_space<vmem>>, vector<16xi32>, vector<16xi1>
        tpu.vector_store %arg7[%swap3A_416], %add3A_408 masked %eq3A_413 {strides = array<i32>} : memref<16512xi32, #tpu.memory_space<vmem>>, vector<16xi32>, vector<16xi1>
        %swap3A_418 = arith.index_cast %squeeze3A_228 : i32 to index
        %swap3A_419 = tpu.vector_load %arg8[%swap3A_418] masked %eq3A_413 {strides = array<i32>} : memref<16512xi32, #tpu.memory_space<vmem>>, vector<16xi32>, vector<16xi1>
        tpu.vector_store %arg8[%swap3A_418], %and3A_415 masked %eq3A_413 {strides = array<i32>} : memref<16512xi32, #tpu.memory_space<vmem>>, vector<16xi32>, vector<16xi1>
        %gt3A_420 = arith.constant 1 : i32
        %gt3A_421 = arith.cmpi sgt, %squeeze3A_224, %gt3A_420 : i32
        %convert_element_type3A_422 = arith.extui %gt3A_421 : i1 to i32
        %cond3A_423 = arith.constant 0 : i32
        %cond3A_424 = arith.cmpi ne, %convert_element_type3A_422, %cond3A_423 : i32
        scf.if %cond3A_424 {
          %while3A_425 = arith.constant 1 : i32
          %while3A_426 = scf.while (%while3A_427 = %while3A_425) : (i32) -> i32 {
            %gt3A_428 = arith.constant 0 : i32
            %gt3A_429 = arith.cmpi sgt, %while3A_427, %gt3A_428 : i32
            scf.condition(%gt3A_429) %while3A_427 : i32
          } do {
          ^bb0(%while3A_427: i32):
            %gather3A = tpu.vector_load_idx %arg6[%and3A_415] masked %eq3A_413 : memref<32768xi32, #tpu.memory_space<vmem>>[vector<16xi32>], vector<16xi32>, vector<16xi1>
            %gt3A_428 = arith.cmpi sgt, %add3A_408, %gather3A : vector<16xi32>
            %and3A_429 = arith.andi %eq3A_413, %gt3A_428 : vector<16xi1>
            tpu.vector_store_idx %arg6[%and3A_415], %add3A_408 masked %and3A_429 : memref<32768xi32, #tpu.memory_space<vmem>>[vector<16xi32>], vector<16xi32>, vector<16xi1>
            %all_reduce_population_count3A = tpu.all_reduce %and3A_429 {dim = 0 : i64, kind = #tpu.reduction_kind<sum>} : vector<16xi1> -> vector<16xi32>
            %slice3A_430 = vector.extract_strided_slice %all_reduce_population_count3A {offsets = [0], sizes = [1], strides = [1]} : vector<16xi32> to vector<1xi32>
            %squeeze3A_431 = vector.extract %slice3A_430[0] : i32 from vector<1xi32>
            scf.yield %squeeze3A_431 : i32
          }
        } else {
        }
      } else {
      }
      %mul3A_232 = arith.constant 16 : i32
      %mul3A_233 = arith.muli %scan3A_190, %mul3A_232 : i32
      %add3A_234 = arith.constant 3 : i32
      %add3A_235 = arith.addi %mul3A_233, %add3A_234 : i32
      %slice3A_236 = vector.extract_strided_slice %get3A_193 {offsets = [3], sizes = [1], strides = [1]} : vector<16xi32> to vector<1xi32>
      %squeeze3A_237 = vector.extract %slice3A_236[0] : i32 from vector<1xi32>
      %gt3A_238 = arith.constant 0 : i32
      %gt3A_239 = arith.cmpi sgt, %squeeze3A_237, %gt3A_238 : i32
      %slice3A_240 = vector.extract_strided_slice %get3A_197 {offsets = [3], sizes = [1], strides = [1]} : vector<16xi32> to vector<1xi32>
      %squeeze3A_241 = vector.extract %slice3A_240[0] : i32 from vector<1xi32>
      %convert_element_type3A_242 = arith.extui %gt3A_239 : i1 to i32
      %cond3A_243 = arith.constant 0 : i32
      %cond3A_244 = arith.cmpi ne, %convert_element_type3A_242, %cond3A_243 : i32
      scf.if %cond3A_244 {
        %mul3A_401 = arith.constant 16 : i32
        %mul3A_402 = arith.muli %add3A_235, %mul3A_401 : i32
        %get3A_403 = arith.index_cast %mul3A_402 : i32 to index
        %get3A_404 = tpu.vector_load %arg5[%get3A_403] {strides = array<i32>} : memref<16384xi32, #tpu.memory_space<vmem>>, vector<16xi32>,
        %mul3A_405 = arith.constant 16 : i32
        %mul3A_406 = arith.muli %add3A_235, %mul3A_405 : i32
        %add3A_407 = vector.broadcast %mul3A_406 : i32 to vector<16xi32>
        %add3A_408 = arith.addi %iota3A, %add3A_407 : vector<16xi32>
        %shift_right_logical3A_409 = arith.constant 15 : i32
        %shift_right_logical3A_410 = vector.broadcast %shift_right_logical3A_409 : i32 to vector<16xi32>
        %shift_right_logical3A_411 = arith.shrui %get3A_404, %shift_right_logical3A_410 : vector<16xi32>
        %eq3A_412 = vector.broadcast %add3A : i32 to vector<16xi32>
        %eq3A_413 = arith.cmpi eq, %shift_right_logical3A_411, %eq3A_412 : vector<16xi32>
        %and3A = arith.constant 32767 : i32
        %and3A_414 = vector.broadcast %and3A : i32 to vector<16xi32>
        %and3A_415 = arith.andi %get3A_404, %and3A_414 : vector<16xi32>
        tpu.vector_store_idx %arg6[%and3A_415], %add3A_408 masked %eq3A_413 : memref<32768xi32, #tpu.memory_space<vmem>>[vector<16xi32>], vector<16xi32>, vector<16xi1>
        %swap3A_416 = arith.index_cast %squeeze3A_241 : i32 to index
        %swap3A_417 = tpu.vector_load %arg7[%swap3A_416] masked %eq3A_413 {strides = array<i32>} : memref<16512xi32, #tpu.memory_space<vmem>>, vector<16xi32>, vector<16xi1>
        tpu.vector_store %arg7[%swap3A_416], %add3A_408 masked %eq3A_413 {strides = array<i32>} : memref<16512xi32, #tpu.memory_space<vmem>>, vector<16xi32>, vector<16xi1>
        %swap3A_418 = arith.index_cast %squeeze3A_241 : i32 to index
        %swap3A_419 = tpu.vector_load %arg8[%swap3A_418] masked %eq3A_413 {strides = array<i32>} : memref<16512xi32, #tpu.memory_space<vmem>>, vector<16xi32>, vector<16xi1>
        tpu.vector_store %arg8[%swap3A_418], %and3A_415 masked %eq3A_413 {strides = array<i32>} : memref<16512xi32, #tpu.memory_space<vmem>>, vector<16xi32>, vector<16xi1>
        %gt3A_420 = arith.constant 1 : i32
        %gt3A_421 = arith.cmpi sgt, %squeeze3A_237, %gt3A_420 : i32
        %convert_element_type3A_422 = arith.extui %gt3A_421 : i1 to i32
        %cond3A_423 = arith.constant 0 : i32
        %cond3A_424 = arith.cmpi ne, %convert_element_type3A_422, %cond3A_423 : i32
        scf.if %cond3A_424 {
          %while3A_425 = arith.constant 1 : i32
          %while3A_426 = scf.while (%while3A_427 = %while3A_425) : (i32) -> i32 {
            %gt3A_428 = arith.constant 0 : i32
            %gt3A_429 = arith.cmpi sgt, %while3A_427, %gt3A_428 : i32
            scf.condition(%gt3A_429) %while3A_427 : i32
          } do {
          ^bb0(%while3A_427: i32):
            %gather3A = tpu.vector_load_idx %arg6[%and3A_415] masked %eq3A_413 : memref<32768xi32, #tpu.memory_space<vmem>>[vector<16xi32>], vector<16xi32>, vector<16xi1>
            %gt3A_428 = arith.cmpi sgt, %add3A_408, %gather3A : vector<16xi32>
            %and3A_429 = arith.andi %eq3A_413, %gt3A_428 : vector<16xi1>
            tpu.vector_store_idx %arg6[%and3A_415], %add3A_408 masked %and3A_429 : memref<32768xi32, #tpu.memory_space<vmem>>[vector<16xi32>], vector<16xi32>, vector<16xi1>
            %all_reduce_population_count3A = tpu.all_reduce %and3A_429 {dim = 0 : i64, kind = #tpu.reduction_kind<sum>} : vector<16xi1> -> vector<16xi32>
            %slice3A_430 = vector.extract_strided_slice %all_reduce_population_count3A {offsets = [0], sizes = [1], strides = [1]} : vector<16xi32> to vector<1xi32>
            %squeeze3A_431 = vector.extract %slice3A_430[0] : i32 from vector<1xi32>
            scf.yield %squeeze3A_431 : i32
          }
        } else {
        }
      } else {
      }
      %mul3A_245 = arith.constant 16 : i32
      %mul3A_246 = arith.muli %scan3A_190, %mul3A_245 : i32
      %add3A_247 = arith.constant 4 : i32
      %add3A_248 = arith.addi %mul3A_246, %add3A_247 : i32
      %slice3A_249 = vector.extract_strided_slice %get3A_193 {offsets = [4], sizes = [1], strides = [1]} : vector<16xi32> to vector<1xi32>
      %squeeze3A_250 = vector.extract %slice3A_249[0] : i32 from vector<1xi32>
      %gt3A_251 = arith.constant 0 : i32
      %gt3A_252 = arith.cmpi sgt, %squeeze3A_250, %gt3A_251 : i32
      %slice3A_253 = vector.extract_strided_slice %get3A_197 {offsets = [4], sizes = [1], strides = [1]} : vector<16xi32> to vector<1xi32>
      %squeeze3A_254 = vector.extract %slice3A_253[0] : i32 from vector<1xi32>
      %convert_element_type3A_255 = arith.extui %gt3A_252 : i1 to i32
      %cond3A_256 = arith.constant 0 : i32
      %cond3A_257 = arith.cmpi ne, %convert_element_type3A_255, %cond3A_256 : i32
      scf.if %cond3A_257 {
        %mul3A_401 = arith.constant 16 : i32
        %mul3A_402 = arith.muli %add3A_248, %mul3A_401 : i32
        %get3A_403 = arith.index_cast %mul3A_402 : i32 to index
        %get3A_404 = tpu.vector_load %arg5[%get3A_403] {strides = array<i32>} : memref<16384xi32, #tpu.memory_space<vmem>>, vector<16xi32>,
        %mul3A_405 = arith.constant 16 : i32
        %mul3A_406 = arith.muli %add3A_248, %mul3A_405 : i32
        %add3A_407 = vector.broadcast %mul3A_406 : i32 to vector<16xi32>
        %add3A_408 = arith.addi %iota3A, %add3A_407 : vector<16xi32>
        %shift_right_logical3A_409 = arith.constant 15 : i32
        %shift_right_logical3A_410 = vector.broadcast %shift_right_logical3A_409 : i32 to vector<16xi32>
        %shift_right_logical3A_411 = arith.shrui %get3A_404, %shift_right_logical3A_410 : vector<16xi32>
        %eq3A_412 = vector.broadcast %add3A : i32 to vector<16xi32>
        %eq3A_413 = arith.cmpi eq, %shift_right_logical3A_411, %eq3A_412 : vector<16xi32>
        %and3A = arith.constant 32767 : i32
        %and3A_414 = vector.broadcast %and3A : i32 to vector<16xi32>
        %and3A_415 = arith.andi %get3A_404, %and3A_414 : vector<16xi32>
        tpu.vector_store_idx %arg6[%and3A_415], %add3A_408 masked %eq3A_413 : memref<32768xi32, #tpu.memory_space<vmem>>[vector<16xi32>], vector<16xi32>, vector<16xi1>
        %swap3A_416 = arith.index_cast %squeeze3A_254 : i32 to index
        %swap3A_417 = tpu.vector_load %arg7[%swap3A_416] masked %eq3A_413 {strides = array<i32>} : memref<16512xi32, #tpu.memory_space<vmem>>, vector<16xi32>, vector<16xi1>
        tpu.vector_store %arg7[%swap3A_416], %add3A_408 masked %eq3A_413 {strides = array<i32>} : memref<16512xi32, #tpu.memory_space<vmem>>, vector<16xi32>, vector<16xi1>
        %swap3A_418 = arith.index_cast %squeeze3A_254 : i32 to index
        %swap3A_419 = tpu.vector_load %arg8[%swap3A_418] masked %eq3A_413 {strides = array<i32>} : memref<16512xi32, #tpu.memory_space<vmem>>, vector<16xi32>, vector<16xi1>
        tpu.vector_store %arg8[%swap3A_418], %and3A_415 masked %eq3A_413 {strides = array<i32>} : memref<16512xi32, #tpu.memory_space<vmem>>, vector<16xi32>, vector<16xi1>
        %gt3A_420 = arith.constant 1 : i32
        %gt3A_421 = arith.cmpi sgt, %squeeze3A_250, %gt3A_420 : i32
        %convert_element_type3A_422 = arith.extui %gt3A_421 : i1 to i32
        %cond3A_423 = arith.constant 0 : i32
        %cond3A_424 = arith.cmpi ne, %convert_element_type3A_422, %cond3A_423 : i32
        scf.if %cond3A_424 {
          %while3A_425 = arith.constant 1 : i32
          %while3A_426 = scf.while (%while3A_427 = %while3A_425) : (i32) -> i32 {
            %gt3A_428 = arith.constant 0 : i32
            %gt3A_429 = arith.cmpi sgt, %while3A_427, %gt3A_428 : i32
            scf.condition(%gt3A_429) %while3A_427 : i32
          } do {
          ^bb0(%while3A_427: i32):
            %gather3A = tpu.vector_load_idx %arg6[%and3A_415] masked %eq3A_413 : memref<32768xi32, #tpu.memory_space<vmem>>[vector<16xi32>], vector<16xi32>, vector<16xi1>
            %gt3A_428 = arith.cmpi sgt, %add3A_408, %gather3A : vector<16xi32>
            %and3A_429 = arith.andi %eq3A_413, %gt3A_428 : vector<16xi1>
            tpu.vector_store_idx %arg6[%and3A_415], %add3A_408 masked %and3A_429 : memref<32768xi32, #tpu.memory_space<vmem>>[vector<16xi32>], vector<16xi32>, vector<16xi1>
            %all_reduce_population_count3A = tpu.all_reduce %and3A_429 {dim = 0 : i64, kind = #tpu.reduction_kind<sum>} : vector<16xi1> -> vector<16xi32>
            %slice3A_430 = vector.extract_strided_slice %all_reduce_population_count3A {offsets = [0], sizes = [1], strides = [1]} : vector<16xi32> to vector<1xi32>
            %squeeze3A_431 = vector.extract %slice3A_430[0] : i32 from vector<1xi32>
            scf.yield %squeeze3A_431 : i32
          }
        } else {
        }
      } else {
      }
      %mul3A_258 = arith.constant 16 : i32
      %mul3A_259 = arith.muli %scan3A_190, %mul3A_258 : i32
      %add3A_260 = arith.constant 5 : i32
      %add3A_261 = arith.addi %mul3A_259, %add3A_260 : i32
      %slice3A_262 = vector.extract_strided_slice %get3A_193 {offsets = [5], sizes = [1], strides = [1]} : vector<16xi32> to vector<1xi32>
      %squeeze3A_263 = vector.extract %slice3A_262[0] : i32 from vector<1xi32>
      %gt3A_264 = arith.constant 0 : i32
      %gt3A_265 = arith.cmpi sgt, %squeeze3A_263, %gt3A_264 : i32
      %slice3A_266 = vector.extract_strided_slice %get3A_197 {offsets = [5], sizes = [1], strides = [1]} : vector<16xi32> to vector<1xi32>
      %squeeze3A_267 = vector.extract %slice3A_266[0] : i32 from vector<1xi32>
      %convert_element_type3A_268 = arith.extui %gt3A_265 : i1 to i32
      %cond3A_269 = arith.constant 0 : i32
      %cond3A_270 = arith.cmpi ne, %convert_element_type3A_268, %cond3A_269 : i32
      scf.if %cond3A_270 {
        %mul3A_401 = arith.constant 16 : i32
        %mul3A_402 = arith.muli %add3A_261, %mul3A_401 : i32
        %get3A_403 = arith.index_cast %mul3A_402 : i32 to index
        %get3A_404 = tpu.vector_load %arg5[%get3A_403] {strides = array<i32>} : memref<16384xi32, #tpu.memory_space<vmem>>, vector<16xi32>,
        %mul3A_405 = arith.constant 16 : i32
        %mul3A_406 = arith.muli %add3A_261, %mul3A_405 : i32
        %add3A_407 = vector.broadcast %mul3A_406 : i32 to vector<16xi32>
        %add3A_408 = arith.addi %iota3A, %add3A_407 : vector<16xi32>
        %shift_right_logical3A_409 = arith.constant 15 : i32
        %shift_right_logical3A_410 = vector.broadcast %shift_right_logical3A_409 : i32 to vector<16xi32>
        %shift_right_logical3A_411 = arith.shrui %get3A_404, %shift_right_logical3A_410 : vector<16xi32>
        %eq3A_412 = vector.broadcast %add3A : i32 to vector<16xi32>
        %eq3A_413 = arith.cmpi eq, %shift_right_logical3A_411, %eq3A_412 : vector<16xi32>
        %and3A = arith.constant 32767 : i32
        %and3A_414 = vector.broadcast %and3A : i32 to vector<16xi32>
        %and3A_415 = arith.andi %get3A_404, %and3A_414 : vector<16xi32>
        tpu.vector_store_idx %arg6[%and3A_415], %add3A_408 masked %eq3A_413 : memref<32768xi32, #tpu.memory_space<vmem>>[vector<16xi32>], vector<16xi32>, vector<16xi1>
        %swap3A_416 = arith.index_cast %squeeze3A_267 : i32 to index
        %swap3A_417 = tpu.vector_load %arg7[%swap3A_416] masked %eq3A_413 {strides = array<i32>} : memref<16512xi32, #tpu.memory_space<vmem>>, vector<16xi32>, vector<16xi1>
        tpu.vector_store %arg7[%swap3A_416], %add3A_408 masked %eq3A_413 {strides = array<i32>} : memref<16512xi32, #tpu.memory_space<vmem>>, vector<16xi32>, vector<16xi1>
        %swap3A_418 = arith.index_cast %squeeze3A_267 : i32 to index
        %swap3A_419 = tpu.vector_load %arg8[%swap3A_418] masked %eq3A_413 {strides = array<i32>} : memref<16512xi32, #tpu.memory_space<vmem>>, vector<16xi32>, vector<16xi1>
        tpu.vector_store %arg8[%swap3A_418], %and3A_415 masked %eq3A_413 {strides = array<i32>} : memref<16512xi32, #tpu.memory_space<vmem>>, vector<16xi32>, vector<16xi1>
        %gt3A_420 = arith.constant 1 : i32
        %gt3A_421 = arith.cmpi sgt, %squeeze3A_263, %gt3A_420 : i32
        %convert_element_type3A_422 = arith.extui %gt3A_421 : i1 to i32
        %cond3A_423 = arith.constant 0 : i32
        %cond3A_424 = arith.cmpi ne, %convert_element_type3A_422, %cond3A_423 : i32
        scf.if %cond3A_424 {
          %while3A_425 = arith.constant 1 : i32
          %while3A_426 = scf.while (%while3A_427 = %while3A_425) : (i32) -> i32 {
            %gt3A_428 = arith.constant 0 : i32
            %gt3A_429 = arith.cmpi sgt, %while3A_427, %gt3A_428 : i32
            scf.condition(%gt3A_429) %while3A_427 : i32
          } do {
          ^bb0(%while3A_427: i32):
            %gather3A = tpu.vector_load_idx %arg6[%and3A_415] masked %eq3A_413 : memref<32768xi32, #tpu.memory_space<vmem>>[vector<16xi32>], vector<16xi32>, vector<16xi1>
            %gt3A_428 = arith.cmpi sgt, %add3A_408, %gather3A : vector<16xi32>
            %and3A_429 = arith.andi %eq3A_413, %gt3A_428 : vector<16xi1>
            tpu.vector_store_idx %arg6[%and3A_415], %add3A_408 masked %and3A_429 : memref<32768xi32, #tpu.memory_space<vmem>>[vector<16xi32>], vector<16xi32>, vector<16xi1>
            %all_reduce_population_count3A = tpu.all_reduce %and3A_429 {dim = 0 : i64, kind = #tpu.reduction_kind<sum>} : vector<16xi1> -> vector<16xi32>
            %slice3A_430 = vector.extract_strided_slice %all_reduce_population_count3A {offsets = [0], sizes = [1], strides = [1]} : vector<16xi32> to vector<1xi32>
            %squeeze3A_431 = vector.extract %slice3A_430[0] : i32 from vector<1xi32>
            scf.yield %squeeze3A_431 : i32
          }
        } else {
        }
      } else {
      }
      %mul3A_271 = arith.constant 16 : i32
      %mul3A_272 = arith.muli %scan3A_190, %mul3A_271 : i32
      %add3A_273 = arith.constant 6 : i32
      %add3A_274 = arith.addi %mul3A_272, %add3A_273 : i32
      %slice3A_275 = vector.extract_strided_slice %get3A_193 {offsets = [6], sizes = [1], strides = [1]} : vector<16xi32> to vector<1xi32>
      %squeeze3A_276 = vector.extract %slice3A_275[0] : i32 from vector<1xi32>
      %gt3A_277 = arith.constant 0 : i32
      %gt3A_278 = arith.cmpi sgt, %squeeze3A_276, %gt3A_277 : i32
      %slice3A_279 = vector.extract_strided_slice %get3A_197 {offsets = [6], sizes = [1], strides = [1]} : vector<16xi32> to vector<1xi32>
      %squeeze3A_280 = vector.extract %slice3A_279[0] : i32 from vector<1xi32>
      %convert_element_type3A_281 = arith.extui %gt3A_278 : i1 to i32
      %cond3A_282 = arith.constant 0 : i32
      %cond3A_283 = arith.cmpi ne, %convert_element_type3A_281, %cond3A_282 : i32
      scf.if %cond3A_283 {
        %mul3A_401 = arith.constant 16 : i32
        %mul3A_402 = arith.muli %add3A_274, %mul3A_401 : i32
        %get3A_403 = arith.index_cast %mul3A_402 : i32 to index
        %get3A_404 = tpu.vector_load %arg5[%get3A_403] {strides = array<i32>} : memref<16384xi32, #tpu.memory_space<vmem>>, vector<16xi32>,
        %mul3A_405 = arith.constant 16 : i32
        %mul3A_406 = arith.muli %add3A_274, %mul3A_405 : i32
        %add3A_407 = vector.broadcast %mul3A_406 : i32 to vector<16xi32>
        %add3A_408 = arith.addi %iota3A, %add3A_407 : vector<16xi32>
        %shift_right_logical3A_409 = arith.constant 15 : i32
        %shift_right_logical3A_410 = vector.broadcast %shift_right_logical3A_409 : i32 to vector<16xi32>
        %shift_right_logical3A_411 = arith.shrui %get3A_404, %shift_right_logical3A_410 : vector<16xi32>
        %eq3A_412 = vector.broadcast %add3A : i32 to vector<16xi32>
        %eq3A_413 = arith.cmpi eq, %shift_right_logical3A_411, %eq3A_412 : vector<16xi32>
        %and3A = arith.constant 32767 : i32
        %and3A_414 = vector.broadcast %and3A : i32 to vector<16xi32>
        %and3A_415 = arith.andi %get3A_404, %and3A_414 : vector<16xi32>
        tpu.vector_store_idx %arg6[%and3A_415], %add3A_408 masked %eq3A_413 : memref<32768xi32, #tpu.memory_space<vmem>>[vector<16xi32>], vector<16xi32>, vector<16xi1>
        %swap3A_416 = arith.index_cast %squeeze3A_280 : i32 to index
        %swap3A_417 = tpu.vector_load %arg7[%swap3A_416] masked %eq3A_413 {strides = array<i32>} : memref<16512xi32, #tpu.memory_space<vmem>>, vector<16xi32>, vector<16xi1>
        tpu.vector_store %arg7[%swap3A_416], %add3A_408 masked %eq3A_413 {strides = array<i32>} : memref<16512xi32, #tpu.memory_space<vmem>>, vector<16xi32>, vector<16xi1>
        %swap3A_418 = arith.index_cast %squeeze3A_280 : i32 to index
        %swap3A_419 = tpu.vector_load %arg8[%swap3A_418] masked %eq3A_413 {strides = array<i32>} : memref<16512xi32, #tpu.memory_space<vmem>>, vector<16xi32>, vector<16xi1>
        tpu.vector_store %arg8[%swap3A_418], %and3A_415 masked %eq3A_413 {strides = array<i32>} : memref<16512xi32, #tpu.memory_space<vmem>>, vector<16xi32>, vector<16xi1>
        %gt3A_420 = arith.constant 1 : i32
        %gt3A_421 = arith.cmpi sgt, %squeeze3A_276, %gt3A_420 : i32
        %convert_element_type3A_422 = arith.extui %gt3A_421 : i1 to i32
        %cond3A_423 = arith.constant 0 : i32
        %cond3A_424 = arith.cmpi ne, %convert_element_type3A_422, %cond3A_423 : i32
        scf.if %cond3A_424 {
          %while3A_425 = arith.constant 1 : i32
          %while3A_426 = scf.while (%while3A_427 = %while3A_425) : (i32) -> i32 {
            %gt3A_428 = arith.constant 0 : i32
            %gt3A_429 = arith.cmpi sgt, %while3A_427, %gt3A_428 : i32
            scf.condition(%gt3A_429) %while3A_427 : i32
          } do {
          ^bb0(%while3A_427: i32):
            %gather3A = tpu.vector_load_idx %arg6[%and3A_415] masked %eq3A_413 : memref<32768xi32, #tpu.memory_space<vmem>>[vector<16xi32>], vector<16xi32>, vector<16xi1>
            %gt3A_428 = arith.cmpi sgt, %add3A_408, %gather3A : vector<16xi32>
            %and3A_429 = arith.andi %eq3A_413, %gt3A_428 : vector<16xi1>
            tpu.vector_store_idx %arg6[%and3A_415], %add3A_408 masked %and3A_429 : memref<32768xi32, #tpu.memory_space<vmem>>[vector<16xi32>], vector<16xi32>, vector<16xi1>
            %all_reduce_population_count3A = tpu.all_reduce %and3A_429 {dim = 0 : i64, kind = #tpu.reduction_kind<sum>} : vector<16xi1> -> vector<16xi32>
            %slice3A_430 = vector.extract_strided_slice %all_reduce_population_count3A {offsets = [0], sizes = [1], strides = [1]} : vector<16xi32> to vector<1xi32>
            %squeeze3A_431 = vector.extract %slice3A_430[0] : i32 from vector<1xi32>
            scf.yield %squeeze3A_431 : i32
          }
        } else {
        }
      } else {
      }
      %mul3A_284 = arith.constant 16 : i32
      %mul3A_285 = arith.muli %scan3A_190, %mul3A_284 : i32
      %add3A_286 = arith.constant 7 : i32
      %add3A_287 = arith.addi %mul3A_285, %add3A_286 : i32
      %slice3A_288 = vector.extract_strided_slice %get3A_193 {offsets = [7], sizes = [1], strides = [1]} : vector<16xi32> to vector<1xi32>
      %squeeze3A_289 = vector.extract %slice3A_288[0] : i32 from vector<1xi32>
      %gt3A_290 = arith.constant 0 : i32
      %gt3A_291 = arith.cmpi sgt, %squeeze3A_289, %gt3A_290 : i32
      %slice3A_292 = vector.extract_strided_slice %get3A_197 {offsets = [7], sizes = [1], strides = [1]} : vector<16xi32> to vector<1xi32>
      %squeeze3A_293 = vector.extract %slice3A_292[0] : i32 from vector<1xi32>
      %convert_element_type3A_294 = arith.extui %gt3A_291 : i1 to i32
      %cond3A_295 = arith.constant 0 : i32
      %cond3A_296 = arith.cmpi ne, %convert_element_type3A_294, %cond3A_295 : i32
      scf.if %cond3A_296 {
        %mul3A_401 = arith.constant 16 : i32
        %mul3A_402 = arith.muli %add3A_287, %mul3A_401 : i32
        %get3A_403 = arith.index_cast %mul3A_402 : i32 to index
        %get3A_404 = tpu.vector_load %arg5[%get3A_403] {strides = array<i32>} : memref<16384xi32, #tpu.memory_space<vmem>>, vector<16xi32>,
        %mul3A_405 = arith.constant 16 : i32
        %mul3A_406 = arith.muli %add3A_287, %mul3A_405 : i32
        %add3A_407 = vector.broadcast %mul3A_406 : i32 to vector<16xi32>
        %add3A_408 = arith.addi %iota3A, %add3A_407 : vector<16xi32>
        %shift_right_logical3A_409 = arith.constant 15 : i32
        %shift_right_logical3A_410 = vector.broadcast %shift_right_logical3A_409 : i32 to vector<16xi32>
        %shift_right_logical3A_411 = arith.shrui %get3A_404, %shift_right_logical3A_410 : vector<16xi32>
        %eq3A_412 = vector.broadcast %add3A : i32 to vector<16xi32>
        %eq3A_413 = arith.cmpi eq, %shift_right_logical3A_411, %eq3A_412 : vector<16xi32>
        %and3A = arith.constant 32767 : i32
        %and3A_414 = vector.broadcast %and3A : i32 to vector<16xi32>
        %and3A_415 = arith.andi %get3A_404, %and3A_414 : vector<16xi32>
        tpu.vector_store_idx %arg6[%and3A_415], %add3A_408 masked %eq3A_413 : memref<32768xi32, #tpu.memory_space<vmem>>[vector<16xi32>], vector<16xi32>, vector<16xi1>
        %swap3A_416 = arith.index_cast %squeeze3A_293 : i32 to index
        %swap3A_417 = tpu.vector_load %arg7[%swap3A_416] masked %eq3A_413 {strides = array<i32>} : memref<16512xi32, #tpu.memory_space<vmem>>, vector<16xi32>, vector<16xi1>
        tpu.vector_store %arg7[%swap3A_416], %add3A_408 masked %eq3A_413 {strides = array<i32>} : memref<16512xi32, #tpu.memory_space<vmem>>, vector<16xi32>, vector<16xi1>
        %swap3A_418 = arith.index_cast %squeeze3A_293 : i32 to index
        %swap3A_419 = tpu.vector_load %arg8[%swap3A_418] masked %eq3A_413 {strides = array<i32>} : memref<16512xi32, #tpu.memory_space<vmem>>, vector<16xi32>, vector<16xi1>
        tpu.vector_store %arg8[%swap3A_418], %and3A_415 masked %eq3A_413 {strides = array<i32>} : memref<16512xi32, #tpu.memory_space<vmem>>, vector<16xi32>, vector<16xi1>
        %gt3A_420 = arith.constant 1 : i32
        %gt3A_421 = arith.cmpi sgt, %squeeze3A_289, %gt3A_420 : i32
        %convert_element_type3A_422 = arith.extui %gt3A_421 : i1 to i32
        %cond3A_423 = arith.constant 0 : i32
        %cond3A_424 = arith.cmpi ne, %convert_element_type3A_422, %cond3A_423 : i32
        scf.if %cond3A_424 {
          %while3A_425 = arith.constant 1 : i32
          %while3A_426 = scf.while (%while3A_427 = %while3A_425) : (i32) -> i32 {
            %gt3A_428 = arith.constant 0 : i32
            %gt3A_429 = arith.cmpi sgt, %while3A_427, %gt3A_428 : i32
            scf.condition(%gt3A_429) %while3A_427 : i32
          } do {
          ^bb0(%while3A_427: i32):
            %gather3A = tpu.vector_load_idx %arg6[%and3A_415] masked %eq3A_413 : memref<32768xi32, #tpu.memory_space<vmem>>[vector<16xi32>], vector<16xi32>, vector<16xi1>
            %gt3A_428 = arith.cmpi sgt, %add3A_408, %gather3A : vector<16xi32>
            %and3A_429 = arith.andi %eq3A_413, %gt3A_428 : vector<16xi1>
            tpu.vector_store_idx %arg6[%and3A_415], %add3A_408 masked %and3A_429 : memref<32768xi32, #tpu.memory_space<vmem>>[vector<16xi32>], vector<16xi32>, vector<16xi1>
            %all_reduce_population_count3A = tpu.all_reduce %and3A_429 {dim = 0 : i64, kind = #tpu.reduction_kind<sum>} : vector<16xi1> -> vector<16xi32>
            %slice3A_430 = vector.extract_strided_slice %all_reduce_population_count3A {offsets = [0], sizes = [1], strides = [1]} : vector<16xi32> to vector<1xi32>
            %squeeze3A_431 = vector.extract %slice3A_430[0] : i32 from vector<1xi32>
            scf.yield %squeeze3A_431 : i32
          }
        } else {
        }
      } else {
      }
      %mul3A_297 = arith.constant 16 : i32
      %mul3A_298 = arith.muli %scan3A_190, %mul3A_297 : i32
      %add3A_299 = arith.constant 8 : i32
      %add3A_300 = arith.addi %mul3A_298, %add3A_299 : i32
      %slice3A_301 = vector.extract_strided_slice %get3A_193 {offsets = [8], sizes = [1], strides = [1]} : vector<16xi32> to vector<1xi32>
      %squeeze3A_302 = vector.extract %slice3A_301[0] : i32 from vector<1xi32>
      %gt3A_303 = arith.constant 0 : i32
      %gt3A_304 = arith.cmpi sgt, %squeeze3A_302, %gt3A_303 : i32
      %slice3A_305 = vector.extract_strided_slice %get3A_197 {offsets = [8], sizes = [1], strides = [1]} : vector<16xi32> to vector<1xi32>
      %squeeze3A_306 = vector.extract %slice3A_305[0] : i32 from vector<1xi32>
      %convert_element_type3A_307 = arith.extui %gt3A_304 : i1 to i32
      %cond3A_308 = arith.constant 0 : i32
      %cond3A_309 = arith.cmpi ne, %convert_element_type3A_307, %cond3A_308 : i32
      scf.if %cond3A_309 {
        %mul3A_401 = arith.constant 16 : i32
        %mul3A_402 = arith.muli %add3A_300, %mul3A_401 : i32
        %get3A_403 = arith.index_cast %mul3A_402 : i32 to index
        %get3A_404 = tpu.vector_load %arg5[%get3A_403] {strides = array<i32>} : memref<16384xi32, #tpu.memory_space<vmem>>, vector<16xi32>,
        %mul3A_405 = arith.constant 16 : i32
        %mul3A_406 = arith.muli %add3A_300, %mul3A_405 : i32
        %add3A_407 = vector.broadcast %mul3A_406 : i32 to vector<16xi32>
        %add3A_408 = arith.addi %iota3A, %add3A_407 : vector<16xi32>
        %shift_right_logical3A_409 = arith.constant 15 : i32
        %shift_right_logical3A_410 = vector.broadcast %shift_right_logical3A_409 : i32 to vector<16xi32>
        %shift_right_logical3A_411 = arith.shrui %get3A_404, %shift_right_logical3A_410 : vector<16xi32>
        %eq3A_412 = vector.broadcast %add3A : i32 to vector<16xi32>
        %eq3A_413 = arith.cmpi eq, %shift_right_logical3A_411, %eq3A_412 : vector<16xi32>
        %and3A = arith.constant 32767 : i32
        %and3A_414 = vector.broadcast %and3A : i32 to vector<16xi32>
        %and3A_415 = arith.andi %get3A_404, %and3A_414 : vector<16xi32>
        tpu.vector_store_idx %arg6[%and3A_415], %add3A_408 masked %eq3A_413 : memref<32768xi32, #tpu.memory_space<vmem>>[vector<16xi32>], vector<16xi32>, vector<16xi1>
        %swap3A_416 = arith.index_cast %squeeze3A_306 : i32 to index
        %swap3A_417 = tpu.vector_load %arg7[%swap3A_416] masked %eq3A_413 {strides = array<i32>} : memref<16512xi32, #tpu.memory_space<vmem>>, vector<16xi32>, vector<16xi1>
        tpu.vector_store %arg7[%swap3A_416], %add3A_408 masked %eq3A_413 {strides = array<i32>} : memref<16512xi32, #tpu.memory_space<vmem>>, vector<16xi32>, vector<16xi1>
        %swap3A_418 = arith.index_cast %squeeze3A_306 : i32 to index
        %swap3A_419 = tpu.vector_load %arg8[%swap3A_418] masked %eq3A_413 {strides = array<i32>} : memref<16512xi32, #tpu.memory_space<vmem>>, vector<16xi32>, vector<16xi1>
        tpu.vector_store %arg8[%swap3A_418], %and3A_415 masked %eq3A_413 {strides = array<i32>} : memref<16512xi32, #tpu.memory_space<vmem>>, vector<16xi32>, vector<16xi1>
        %gt3A_420 = arith.constant 1 : i32
        %gt3A_421 = arith.cmpi sgt, %squeeze3A_302, %gt3A_420 : i32
        %convert_element_type3A_422 = arith.extui %gt3A_421 : i1 to i32
        %cond3A_423 = arith.constant 0 : i32
        %cond3A_424 = arith.cmpi ne, %convert_element_type3A_422, %cond3A_423 : i32
        scf.if %cond3A_424 {
          %while3A_425 = arith.constant 1 : i32
          %while3A_426 = scf.while (%while3A_427 = %while3A_425) : (i32) -> i32 {
            %gt3A_428 = arith.constant 0 : i32
            %gt3A_429 = arith.cmpi sgt, %while3A_427, %gt3A_428 : i32
            scf.condition(%gt3A_429) %while3A_427 : i32
          } do {
          ^bb0(%while3A_427: i32):
            %gather3A = tpu.vector_load_idx %arg6[%and3A_415] masked %eq3A_413 : memref<32768xi32, #tpu.memory_space<vmem>>[vector<16xi32>], vector<16xi32>, vector<16xi1>
            %gt3A_428 = arith.cmpi sgt, %add3A_408, %gather3A : vector<16xi32>
            %and3A_429 = arith.andi %eq3A_413, %gt3A_428 : vector<16xi1>
            tpu.vector_store_idx %arg6[%and3A_415], %add3A_408 masked %and3A_429 : memref<32768xi32, #tpu.memory_space<vmem>>[vector<16xi32>], vector<16xi32>, vector<16xi1>
            %all_reduce_population_count3A = tpu.all_reduce %and3A_429 {dim = 0 : i64, kind = #tpu.reduction_kind<sum>} : vector<16xi1> -> vector<16xi32>
            %slice3A_430 = vector.extract_strided_slice %all_reduce_population_count3A {offsets = [0], sizes = [1], strides = [1]} : vector<16xi32> to vector<1xi32>
            %squeeze3A_431 = vector.extract %slice3A_430[0] : i32 from vector<1xi32>
            scf.yield %squeeze3A_431 : i32
          }
        } else {
        }
      } else {
      }
      %mul3A_310 = arith.constant 16 : i32
      %mul3A_311 = arith.muli %scan3A_190, %mul3A_310 : i32
      %add3A_312 = arith.constant 9 : i32
      %add3A_313 = arith.addi %mul3A_311, %add3A_312 : i32
      %slice3A_314 = vector.extract_strided_slice %get3A_193 {offsets = [9], sizes = [1], strides = [1]} : vector<16xi32> to vector<1xi32>
      %squeeze3A_315 = vector.extract %slice3A_314[0] : i32 from vector<1xi32>
      %gt3A_316 = arith.constant 0 : i32
      %gt3A_317 = arith.cmpi sgt, %squeeze3A_315, %gt3A_316 : i32
      %slice3A_318 = vector.extract_strided_slice %get3A_197 {offsets = [9], sizes = [1], strides = [1]} : vector<16xi32> to vector<1xi32>
      %squeeze3A_319 = vector.extract %slice3A_318[0] : i32 from vector<1xi32>
      %convert_element_type3A_320 = arith.extui %gt3A_317 : i1 to i32
      %cond3A_321 = arith.constant 0 : i32
      %cond3A_322 = arith.cmpi ne, %convert_element_type3A_320, %cond3A_321 : i32
      scf.if %cond3A_322 {
        %mul3A_401 = arith.constant 16 : i32
        %mul3A_402 = arith.muli %add3A_313, %mul3A_401 : i32
        %get3A_403 = arith.index_cast %mul3A_402 : i32 to index
        %get3A_404 = tpu.vector_load %arg5[%get3A_403] {strides = array<i32>} : memref<16384xi32, #tpu.memory_space<vmem>>, vector<16xi32>,
        %mul3A_405 = arith.constant 16 : i32
        %mul3A_406 = arith.muli %add3A_313, %mul3A_405 : i32
        %add3A_407 = vector.broadcast %mul3A_406 : i32 to vector<16xi32>
        %add3A_408 = arith.addi %iota3A, %add3A_407 : vector<16xi32>
        %shift_right_logical3A_409 = arith.constant 15 : i32
        %shift_right_logical3A_410 = vector.broadcast %shift_right_logical3A_409 : i32 to vector<16xi32>
        %shift_right_logical3A_411 = arith.shrui %get3A_404, %shift_right_logical3A_410 : vector<16xi32>
        %eq3A_412 = vector.broadcast %add3A : i32 to vector<16xi32>
        %eq3A_413 = arith.cmpi eq, %shift_right_logical3A_411, %eq3A_412 : vector<16xi32>
        %and3A = arith.constant 32767 : i32
        %and3A_414 = vector.broadcast %and3A : i32 to vector<16xi32>
        %and3A_415 = arith.andi %get3A_404, %and3A_414 : vector<16xi32>
        tpu.vector_store_idx %arg6[%and3A_415], %add3A_408 masked %eq3A_413 : memref<32768xi32, #tpu.memory_space<vmem>>[vector<16xi32>], vector<16xi32>, vector<16xi1>
        %swap3A_416 = arith.index_cast %squeeze3A_319 : i32 to index
        %swap3A_417 = tpu.vector_load %arg7[%swap3A_416] masked %eq3A_413 {strides = array<i32>} : memref<16512xi32, #tpu.memory_space<vmem>>, vector<16xi32>, vector<16xi1>
        tpu.vector_store %arg7[%swap3A_416], %add3A_408 masked %eq3A_413 {strides = array<i32>} : memref<16512xi32, #tpu.memory_space<vmem>>, vector<16xi32>, vector<16xi1>
        %swap3A_418 = arith.index_cast %squeeze3A_319 : i32 to index
        %swap3A_419 = tpu.vector_load %arg8[%swap3A_418] masked %eq3A_413 {strides = array<i32>} : memref<16512xi32, #tpu.memory_space<vmem>>, vector<16xi32>, vector<16xi1>
        tpu.vector_store %arg8[%swap3A_418], %and3A_415 masked %eq3A_413 {strides = array<i32>} : memref<16512xi32, #tpu.memory_space<vmem>>, vector<16xi32>, vector<16xi1>
        %gt3A_420 = arith.constant 1 : i32
        %gt3A_421 = arith.cmpi sgt, %squeeze3A_315, %gt3A_420 : i32
        %convert_element_type3A_422 = arith.extui %gt3A_421 : i1 to i32
        %cond3A_423 = arith.constant 0 : i32
        %cond3A_424 = arith.cmpi ne, %convert_element_type3A_422, %cond3A_423 : i32
        scf.if %cond3A_424 {
          %while3A_425 = arith.constant 1 : i32
          %while3A_426 = scf.while (%while3A_427 = %while3A_425) : (i32) -> i32 {
            %gt3A_428 = arith.constant 0 : i32
            %gt3A_429 = arith.cmpi sgt, %while3A_427, %gt3A_428 : i32
            scf.condition(%gt3A_429) %while3A_427 : i32
          } do {
          ^bb0(%while3A_427: i32):
            %gather3A = tpu.vector_load_idx %arg6[%and3A_415] masked %eq3A_413 : memref<32768xi32, #tpu.memory_space<vmem>>[vector<16xi32>], vector<16xi32>, vector<16xi1>
            %gt3A_428 = arith.cmpi sgt, %add3A_408, %gather3A : vector<16xi32>
            %and3A_429 = arith.andi %eq3A_413, %gt3A_428 : vector<16xi1>
            tpu.vector_store_idx %arg6[%and3A_415], %add3A_408 masked %and3A_429 : memref<32768xi32, #tpu.memory_space<vmem>>[vector<16xi32>], vector<16xi32>, vector<16xi1>
            %all_reduce_population_count3A = tpu.all_reduce %and3A_429 {dim = 0 : i64, kind = #tpu.reduction_kind<sum>} : vector<16xi1> -> vector<16xi32>
            %slice3A_430 = vector.extract_strided_slice %all_reduce_population_count3A {offsets = [0], sizes = [1], strides = [1]} : vector<16xi32> to vector<1xi32>
            %squeeze3A_431 = vector.extract %slice3A_430[0] : i32 from vector<1xi32>
            scf.yield %squeeze3A_431 : i32
          }
        } else {
        }
      } else {
      }
      %mul3A_323 = arith.constant 16 : i32
      %mul3A_324 = arith.muli %scan3A_190, %mul3A_323 : i32
      %add3A_325 = arith.constant 10 : i32
      %add3A_326 = arith.addi %mul3A_324, %add3A_325 : i32
      %slice3A_327 = vector.extract_strided_slice %get3A_193 {offsets = [10], sizes = [1], strides = [1]} : vector<16xi32> to vector<1xi32>
      %squeeze3A_328 = vector.extract %slice3A_327[0] : i32 from vector<1xi32>
      %gt3A_329 = arith.constant 0 : i32
      %gt3A_330 = arith.cmpi sgt, %squeeze3A_328, %gt3A_329 : i32
      %slice3A_331 = vector.extract_strided_slice %get3A_197 {offsets = [10], sizes = [1], strides = [1]} : vector<16xi32> to vector<1xi32>
      %squeeze3A_332 = vector.extract %slice3A_331[0] : i32 from vector<1xi32>
      %convert_element_type3A_333 = arith.extui %gt3A_330 : i1 to i32
      %cond3A_334 = arith.constant 0 : i32
      %cond3A_335 = arith.cmpi ne, %convert_element_type3A_333, %cond3A_334 : i32
      scf.if %cond3A_335 {
        %mul3A_401 = arith.constant 16 : i32
        %mul3A_402 = arith.muli %add3A_326, %mul3A_401 : i32
        %get3A_403 = arith.index_cast %mul3A_402 : i32 to index
        %get3A_404 = tpu.vector_load %arg5[%get3A_403] {strides = array<i32>} : memref<16384xi32, #tpu.memory_space<vmem>>, vector<16xi32>,
        %mul3A_405 = arith.constant 16 : i32
        %mul3A_406 = arith.muli %add3A_326, %mul3A_405 : i32
        %add3A_407 = vector.broadcast %mul3A_406 : i32 to vector<16xi32>
        %add3A_408 = arith.addi %iota3A, %add3A_407 : vector<16xi32>
        %shift_right_logical3A_409 = arith.constant 15 : i32
        %shift_right_logical3A_410 = vector.broadcast %shift_right_logical3A_409 : i32 to vector<16xi32>
        %shift_right_logical3A_411 = arith.shrui %get3A_404, %shift_right_logical3A_410 : vector<16xi32>
        %eq3A_412 = vector.broadcast %add3A : i32 to vector<16xi32>
        %eq3A_413 = arith.cmpi eq, %shift_right_logical3A_411, %eq3A_412 : vector<16xi32>
        %and3A = arith.constant 32767 : i32
        %and3A_414 = vector.broadcast %and3A : i32 to vector<16xi32>
        %and3A_415 = arith.andi %get3A_404, %and3A_414 : vector<16xi32>
        tpu.vector_store_idx %arg6[%and3A_415], %add3A_408 masked %eq3A_413 : memref<32768xi32, #tpu.memory_space<vmem>>[vector<16xi32>], vector<16xi32>, vector<16xi1>
        %swap3A_416 = arith.index_cast %squeeze3A_332 : i32 to index
        %swap3A_417 = tpu.vector_load %arg7[%swap3A_416] masked %eq3A_413 {strides = array<i32>} : memref<16512xi32, #tpu.memory_space<vmem>>, vector<16xi32>, vector<16xi1>
        tpu.vector_store %arg7[%swap3A_416], %add3A_408 masked %eq3A_413 {strides = array<i32>} : memref<16512xi32, #tpu.memory_space<vmem>>, vector<16xi32>, vector<16xi1>
        %swap3A_418 = arith.index_cast %squeeze3A_332 : i32 to index
        %swap3A_419 = tpu.vector_load %arg8[%swap3A_418] masked %eq3A_413 {strides = array<i32>} : memref<16512xi32, #tpu.memory_space<vmem>>, vector<16xi32>, vector<16xi1>
        tpu.vector_store %arg8[%swap3A_418], %and3A_415 masked %eq3A_413 {strides = array<i32>} : memref<16512xi32, #tpu.memory_space<vmem>>, vector<16xi32>, vector<16xi1>
        %gt3A_420 = arith.constant 1 : i32
        %gt3A_421 = arith.cmpi sgt, %squeeze3A_328, %gt3A_420 : i32
        %convert_element_type3A_422 = arith.extui %gt3A_421 : i1 to i32
        %cond3A_423 = arith.constant 0 : i32
        %cond3A_424 = arith.cmpi ne, %convert_element_type3A_422, %cond3A_423 : i32
        scf.if %cond3A_424 {
          %while3A_425 = arith.constant 1 : i32
          %while3A_426 = scf.while (%while3A_427 = %while3A_425) : (i32) -> i32 {
            %gt3A_428 = arith.constant 0 : i32
            %gt3A_429 = arith.cmpi sgt, %while3A_427, %gt3A_428 : i32
            scf.condition(%gt3A_429) %while3A_427 : i32
          } do {
          ^bb0(%while3A_427: i32):
            %gather3A = tpu.vector_load_idx %arg6[%and3A_415] masked %eq3A_413 : memref<32768xi32, #tpu.memory_space<vmem>>[vector<16xi32>], vector<16xi32>, vector<16xi1>
            %gt3A_428 = arith.cmpi sgt, %add3A_408, %gather3A : vector<16xi32>
            %and3A_429 = arith.andi %eq3A_413, %gt3A_428 : vector<16xi1>
            tpu.vector_store_idx %arg6[%and3A_415], %add3A_408 masked %and3A_429 : memref<32768xi32, #tpu.memory_space<vmem>>[vector<16xi32>], vector<16xi32>, vector<16xi1>
            %all_reduce_population_count3A = tpu.all_reduce %and3A_429 {dim = 0 : i64, kind = #tpu.reduction_kind<sum>} : vector<16xi1> -> vector<16xi32>
            %slice3A_430 = vector.extract_strided_slice %all_reduce_population_count3A {offsets = [0], sizes = [1], strides = [1]} : vector<16xi32> to vector<1xi32>
            %squeeze3A_431 = vector.extract %slice3A_430[0] : i32 from vector<1xi32>
            scf.yield %squeeze3A_431 : i32
          }
        } else {
        }
      } else {
      }
      %mul3A_336 = arith.constant 16 : i32
      %mul3A_337 = arith.muli %scan3A_190, %mul3A_336 : i32
      %add3A_338 = arith.constant 11 : i32
      %add3A_339 = arith.addi %mul3A_337, %add3A_338 : i32
      %slice3A_340 = vector.extract_strided_slice %get3A_193 {offsets = [11], sizes = [1], strides = [1]} : vector<16xi32> to vector<1xi32>
      %squeeze3A_341 = vector.extract %slice3A_340[0] : i32 from vector<1xi32>
      %gt3A_342 = arith.constant 0 : i32
      %gt3A_343 = arith.cmpi sgt, %squeeze3A_341, %gt3A_342 : i32
      %slice3A_344 = vector.extract_strided_slice %get3A_197 {offsets = [11], sizes = [1], strides = [1]} : vector<16xi32> to vector<1xi32>
      %squeeze3A_345 = vector.extract %slice3A_344[0] : i32 from vector<1xi32>
      %convert_element_type3A_346 = arith.extui %gt3A_343 : i1 to i32
      %cond3A_347 = arith.constant 0 : i32
      %cond3A_348 = arith.cmpi ne, %convert_element_type3A_346, %cond3A_347 : i32
      scf.if %cond3A_348 {
        %mul3A_401 = arith.constant 16 : i32
        %mul3A_402 = arith.muli %add3A_339, %mul3A_401 : i32
        %get3A_403 = arith.index_cast %mul3A_402 : i32 to index
        %get3A_404 = tpu.vector_load %arg5[%get3A_403] {strides = array<i32>} : memref<16384xi32, #tpu.memory_space<vmem>>, vector<16xi32>,
        %mul3A_405 = arith.constant 16 : i32
        %mul3A_406 = arith.muli %add3A_339, %mul3A_405 : i32
        %add3A_407 = vector.broadcast %mul3A_406 : i32 to vector<16xi32>
        %add3A_408 = arith.addi %iota3A, %add3A_407 : vector<16xi32>
        %shift_right_logical3A_409 = arith.constant 15 : i32
        %shift_right_logical3A_410 = vector.broadcast %shift_right_logical3A_409 : i32 to vector<16xi32>
        %shift_right_logical3A_411 = arith.shrui %get3A_404, %shift_right_logical3A_410 : vector<16xi32>
        %eq3A_412 = vector.broadcast %add3A : i32 to vector<16xi32>
        %eq3A_413 = arith.cmpi eq, %shift_right_logical3A_411, %eq3A_412 : vector<16xi32>
        %and3A = arith.constant 32767 : i32
        %and3A_414 = vector.broadcast %and3A : i32 to vector<16xi32>
        %and3A_415 = arith.andi %get3A_404, %and3A_414 : vector<16xi32>
        tpu.vector_store_idx %arg6[%and3A_415], %add3A_408 masked %eq3A_413 : memref<32768xi32, #tpu.memory_space<vmem>>[vector<16xi32>], vector<16xi32>, vector<16xi1>
        %swap3A_416 = arith.index_cast %squeeze3A_345 : i32 to index
        %swap3A_417 = tpu.vector_load %arg7[%swap3A_416] masked %eq3A_413 {strides = array<i32>} : memref<16512xi32, #tpu.memory_space<vmem>>, vector<16xi32>, vector<16xi1>
        tpu.vector_store %arg7[%swap3A_416], %add3A_408 masked %eq3A_413 {strides = array<i32>} : memref<16512xi32, #tpu.memory_space<vmem>>, vector<16xi32>, vector<16xi1>
        %swap3A_418 = arith.index_cast %squeeze3A_345 : i32 to index
        %swap3A_419 = tpu.vector_load %arg8[%swap3A_418] masked %eq3A_413 {strides = array<i32>} : memref<16512xi32, #tpu.memory_space<vmem>>, vector<16xi32>, vector<16xi1>
        tpu.vector_store %arg8[%swap3A_418], %and3A_415 masked %eq3A_413 {strides = array<i32>} : memref<16512xi32, #tpu.memory_space<vmem>>, vector<16xi32>, vector<16xi1>
        %gt3A_420 = arith.constant 1 : i32
        %gt3A_421 = arith.cmpi sgt, %squeeze3A_341, %gt3A_420 : i32
        %convert_element_type3A_422 = arith.extui %gt3A_421 : i1 to i32
        %cond3A_423 = arith.constant 0 : i32
        %cond3A_424 = arith.cmpi ne, %convert_element_type3A_422, %cond3A_423 : i32
        scf.if %cond3A_424 {
          %while3A_425 = arith.constant 1 : i32
          %while3A_426 = scf.while (%while3A_427 = %while3A_425) : (i32) -> i32 {
            %gt3A_428 = arith.constant 0 : i32
            %gt3A_429 = arith.cmpi sgt, %while3A_427, %gt3A_428 : i32
            scf.condition(%gt3A_429) %while3A_427 : i32
          } do {
          ^bb0(%while3A_427: i32):
            %gather3A = tpu.vector_load_idx %arg6[%and3A_415] masked %eq3A_413 : memref<32768xi32, #tpu.memory_space<vmem>>[vector<16xi32>], vector<16xi32>, vector<16xi1>
            %gt3A_428 = arith.cmpi sgt, %add3A_408, %gather3A : vector<16xi32>
            %and3A_429 = arith.andi %eq3A_413, %gt3A_428 : vector<16xi1>
            tpu.vector_store_idx %arg6[%and3A_415], %add3A_408 masked %and3A_429 : memref<32768xi32, #tpu.memory_space<vmem>>[vector<16xi32>], vector<16xi32>, vector<16xi1>
            %all_reduce_population_count3A = tpu.all_reduce %and3A_429 {dim = 0 : i64, kind = #tpu.reduction_kind<sum>} : vector<16xi1> -> vector<16xi32>
            %slice3A_430 = vector.extract_strided_slice %all_reduce_population_count3A {offsets = [0], sizes = [1], strides = [1]} : vector<16xi32> to vector<1xi32>
            %squeeze3A_431 = vector.extract %slice3A_430[0] : i32 from vector<1xi32>
            scf.yield %squeeze3A_431 : i32
          }
        } else {
        }
      } else {
      }
      %mul3A_349 = arith.constant 16 : i32
      %mul3A_350 = arith.muli %scan3A_190, %mul3A_349 : i32
      %add3A_351 = arith.constant 12 : i32
      %add3A_352 = arith.addi %mul3A_350, %add3A_351 : i32
      %slice3A_353 = vector.extract_strided_slice %get3A_193 {offsets = [12], sizes = [1], strides = [1]} : vector<16xi32> to vector<1xi32>
      %squeeze3A_354 = vector.extract %slice3A_353[0] : i32 from vector<1xi32>
      %gt3A_355 = arith.constant 0 : i32
      %gt3A_356 = arith.cmpi sgt, %squeeze3A_354, %gt3A_355 : i32
      %slice3A_357 = vector.extract_strided_slice %get3A_197 {offsets = [12], sizes = [1], strides = [1]} : vector<16xi32> to vector<1xi32>
      %squeeze3A_358 = vector.extract %slice3A_357[0] : i32 from vector<1xi32>
      %convert_element_type3A_359 = arith.extui %gt3A_356 : i1 to i32
      %cond3A_360 = arith.constant 0 : i32
      %cond3A_361 = arith.cmpi ne, %convert_element_type3A_359, %cond3A_360 : i32
      scf.if %cond3A_361 {
        %mul3A_401 = arith.constant 16 : i32
        %mul3A_402 = arith.muli %add3A_352, %mul3A_401 : i32
        %get3A_403 = arith.index_cast %mul3A_402 : i32 to index
        %get3A_404 = tpu.vector_load %arg5[%get3A_403] {strides = array<i32>} : memref<16384xi32, #tpu.memory_space<vmem>>, vector<16xi32>,
        %mul3A_405 = arith.constant 16 : i32
        %mul3A_406 = arith.muli %add3A_352, %mul3A_405 : i32
        %add3A_407 = vector.broadcast %mul3A_406 : i32 to vector<16xi32>
        %add3A_408 = arith.addi %iota3A, %add3A_407 : vector<16xi32>
        %shift_right_logical3A_409 = arith.constant 15 : i32
        %shift_right_logical3A_410 = vector.broadcast %shift_right_logical3A_409 : i32 to vector<16xi32>
        %shift_right_logical3A_411 = arith.shrui %get3A_404, %shift_right_logical3A_410 : vector<16xi32>
        %eq3A_412 = vector.broadcast %add3A : i32 to vector<16xi32>
        %eq3A_413 = arith.cmpi eq, %shift_right_logical3A_411, %eq3A_412 : vector<16xi32>
        %and3A = arith.constant 32767 : i32
        %and3A_414 = vector.broadcast %and3A : i32 to vector<16xi32>
        %and3A_415 = arith.andi %get3A_404, %and3A_414 : vector<16xi32>
        tpu.vector_store_idx %arg6[%and3A_415], %add3A_408 masked %eq3A_413 : memref<32768xi32, #tpu.memory_space<vmem>>[vector<16xi32>], vector<16xi32>, vector<16xi1>
        %swap3A_416 = arith.index_cast %squeeze3A_358 : i32 to index
        %swap3A_417 = tpu.vector_load %arg7[%swap3A_416] masked %eq3A_413 {strides = array<i32>} : memref<16512xi32, #tpu.memory_space<vmem>>, vector<16xi32>, vector<16xi1>
        tpu.vector_store %arg7[%swap3A_416], %add3A_408 masked %eq3A_413 {strides = array<i32>} : memref<16512xi32, #tpu.memory_space<vmem>>, vector<16xi32>, vector<16xi1>
        %swap3A_418 = arith.index_cast %squeeze3A_358 : i32 to index
        %swap3A_419 = tpu.vector_load %arg8[%swap3A_418] masked %eq3A_413 {strides = array<i32>} : memref<16512xi32, #tpu.memory_space<vmem>>, vector<16xi32>, vector<16xi1>
        tpu.vector_store %arg8[%swap3A_418], %and3A_415 masked %eq3A_413 {strides = array<i32>} : memref<16512xi32, #tpu.memory_space<vmem>>, vector<16xi32>, vector<16xi1>
        %gt3A_420 = arith.constant 1 : i32
        %gt3A_421 = arith.cmpi sgt, %squeeze3A_354, %gt3A_420 : i32
        %convert_element_type3A_422 = arith.extui %gt3A_421 : i1 to i32
        %cond3A_423 = arith.constant 0 : i32
        %cond3A_424 = arith.cmpi ne, %convert_element_type3A_422, %cond3A_423 : i32
        scf.if %cond3A_424 {
          %while3A_425 = arith.constant 1 : i32
          %while3A_426 = scf.while (%while3A_427 = %while3A_425) : (i32) -> i32 {
            %gt3A_428 = arith.constant 0 : i32
            %gt3A_429 = arith.cmpi sgt, %while3A_427, %gt3A_428 : i32
            scf.condition(%gt3A_429) %while3A_427 : i32
          } do {
          ^bb0(%while3A_427: i32):
            %gather3A = tpu.vector_load_idx %arg6[%and3A_415] masked %eq3A_413 : memref<32768xi32, #tpu.memory_space<vmem>>[vector<16xi32>], vector<16xi32>, vector<16xi1>
            %gt3A_428 = arith.cmpi sgt, %add3A_408, %gather3A : vector<16xi32>
            %and3A_429 = arith.andi %eq3A_413, %gt3A_428 : vector<16xi1>
            tpu.vector_store_idx %arg6[%and3A_415], %add3A_408 masked %and3A_429 : memref<32768xi32, #tpu.memory_space<vmem>>[vector<16xi32>], vector<16xi32>, vector<16xi1>
            %all_reduce_population_count3A = tpu.all_reduce %and3A_429 {dim = 0 : i64, kind = #tpu.reduction_kind<sum>} : vector<16xi1> -> vector<16xi32>
            %slice3A_430 = vector.extract_strided_slice %all_reduce_population_count3A {offsets = [0], sizes = [1], strides = [1]} : vector<16xi32> to vector<1xi32>
            %squeeze3A_431 = vector.extract %slice3A_430[0] : i32 from vector<1xi32>
            scf.yield %squeeze3A_431 : i32
          }
        } else {
        }
      } else {
      }
      %mul3A_362 = arith.constant 16 : i32
      %mul3A_363 = arith.muli %scan3A_190, %mul3A_362 : i32
      %add3A_364 = arith.constant 13 : i32
      %add3A_365 = arith.addi %mul3A_363, %add3A_364 : i32
      %slice3A_366 = vector.extract_strided_slice %get3A_193 {offsets = [13], sizes = [1], strides = [1]} : vector<16xi32> to vector<1xi32>
      %squeeze3A_367 = vector.extract %slice3A_366[0] : i32 from vector<1xi32>
      %gt3A_368 = arith.constant 0 : i32
      %gt3A_369 = arith.cmpi sgt, %squeeze3A_367, %gt3A_368 : i32
      %slice3A_370 = vector.extract_strided_slice %get3A_197 {offsets = [13], sizes = [1], strides = [1]} : vector<16xi32> to vector<1xi32>
      %squeeze3A_371 = vector.extract %slice3A_370[0] : i32 from vector<1xi32>
      %convert_element_type3A_372 = arith.extui %gt3A_369 : i1 to i32
      %cond3A_373 = arith.constant 0 : i32
      %cond3A_374 = arith.cmpi ne, %convert_element_type3A_372, %cond3A_373 : i32
      scf.if %cond3A_374 {
        %mul3A_401 = arith.constant 16 : i32
        %mul3A_402 = arith.muli %add3A_365, %mul3A_401 : i32
        %get3A_403 = arith.index_cast %mul3A_402 : i32 to index
        %get3A_404 = tpu.vector_load %arg5[%get3A_403] {strides = array<i32>} : memref<16384xi32, #tpu.memory_space<vmem>>, vector<16xi32>,
        %mul3A_405 = arith.constant 16 : i32
        %mul3A_406 = arith.muli %add3A_365, %mul3A_405 : i32
        %add3A_407 = vector.broadcast %mul3A_406 : i32 to vector<16xi32>
        %add3A_408 = arith.addi %iota3A, %add3A_407 : vector<16xi32>
        %shift_right_logical3A_409 = arith.constant 15 : i32
        %shift_right_logical3A_410 = vector.broadcast %shift_right_logical3A_409 : i32 to vector<16xi32>
        %shift_right_logical3A_411 = arith.shrui %get3A_404, %shift_right_logical3A_410 : vector<16xi32>
        %eq3A_412 = vector.broadcast %add3A : i32 to vector<16xi32>
        %eq3A_413 = arith.cmpi eq, %shift_right_logical3A_411, %eq3A_412 : vector<16xi32>
        %and3A = arith.constant 32767 : i32
        %and3A_414 = vector.broadcast %and3A : i32 to vector<16xi32>
        %and3A_415 = arith.andi %get3A_404, %and3A_414 : vector<16xi32>
        tpu.vector_store_idx %arg6[%and3A_415], %add3A_408 masked %eq3A_413 : memref<32768xi32, #tpu.memory_space<vmem>>[vector<16xi32>], vector<16xi32>, vector<16xi1>
        %swap3A_416 = arith.index_cast %squeeze3A_371 : i32 to index
        %swap3A_417 = tpu.vector_load %arg7[%swap3A_416] masked %eq3A_413 {strides = array<i32>} : memref<16512xi32, #tpu.memory_space<vmem>>, vector<16xi32>, vector<16xi1>
        tpu.vector_store %arg7[%swap3A_416], %add3A_408 masked %eq3A_413 {strides = array<i32>} : memref<16512xi32, #tpu.memory_space<vmem>>, vector<16xi32>, vector<16xi1>
        %swap3A_418 = arith.index_cast %squeeze3A_371 : i32 to index
        %swap3A_419 = tpu.vector_load %arg8[%swap3A_418] masked %eq3A_413 {strides = array<i32>} : memref<16512xi32, #tpu.memory_space<vmem>>, vector<16xi32>, vector<16xi1>
        tpu.vector_store %arg8[%swap3A_418], %and3A_415 masked %eq3A_413 {strides = array<i32>} : memref<16512xi32, #tpu.memory_space<vmem>>, vector<16xi32>, vector<16xi1>
        %gt3A_420 = arith.constant 1 : i32
        %gt3A_421 = arith.cmpi sgt, %squeeze3A_367, %gt3A_420 : i32
        %convert_element_type3A_422 = arith.extui %gt3A_421 : i1 to i32
        %cond3A_423 = arith.constant 0 : i32
        %cond3A_424 = arith.cmpi ne, %convert_element_type3A_422, %cond3A_423 : i32
        scf.if %cond3A_424 {
          %while3A_425 = arith.constant 1 : i32
          %while3A_426 = scf.while (%while3A_427 = %while3A_425) : (i32) -> i32 {
            %gt3A_428 = arith.constant 0 : i32
            %gt3A_429 = arith.cmpi sgt, %while3A_427, %gt3A_428 : i32
            scf.condition(%gt3A_429) %while3A_427 : i32
          } do {
          ^bb0(%while3A_427: i32):
            %gather3A = tpu.vector_load_idx %arg6[%and3A_415] masked %eq3A_413 : memref<32768xi32, #tpu.memory_space<vmem>>[vector<16xi32>], vector<16xi32>, vector<16xi1>
            %gt3A_428 = arith.cmpi sgt, %add3A_408, %gather3A : vector<16xi32>
            %and3A_429 = arith.andi %eq3A_413, %gt3A_428 : vector<16xi1>
            tpu.vector_store_idx %arg6[%and3A_415], %add3A_408 masked %and3A_429 : memref<32768xi32, #tpu.memory_space<vmem>>[vector<16xi32>], vector<16xi32>, vector<16xi1>
            %all_reduce_population_count3A = tpu.all_reduce %and3A_429 {dim = 0 : i64, kind = #tpu.reduction_kind<sum>} : vector<16xi1> -> vector<16xi32>
            %slice3A_430 = vector.extract_strided_slice %all_reduce_population_count3A {offsets = [0], sizes = [1], strides = [1]} : vector<16xi32> to vector<1xi32>
            %squeeze3A_431 = vector.extract %slice3A_430[0] : i32 from vector<1xi32>
            scf.yield %squeeze3A_431 : i32
          }
        } else {
        }
      } else {
      }
      %mul3A_375 = arith.constant 16 : i32
      %mul3A_376 = arith.muli %scan3A_190, %mul3A_375 : i32
      %add3A_377 = arith.constant 14 : i32
      %add3A_378 = arith.addi %mul3A_376, %add3A_377 : i32
      %slice3A_379 = vector.extract_strided_slice %get3A_193 {offsets = [14], sizes = [1], strides = [1]} : vector<16xi32> to vector<1xi32>
      %squeeze3A_380 = vector.extract %slice3A_379[0] : i32 from vector<1xi32>
      %gt3A_381 = arith.constant 0 : i32
      %gt3A_382 = arith.cmpi sgt, %squeeze3A_380, %gt3A_381 : i32
      %slice3A_383 = vector.extract_strided_slice %get3A_197 {offsets = [14], sizes = [1], strides = [1]} : vector<16xi32> to vector<1xi32>
      %squeeze3A_384 = vector.extract %slice3A_383[0] : i32 from vector<1xi32>
      %convert_element_type3A_385 = arith.extui %gt3A_382 : i1 to i32
      %cond3A_386 = arith.constant 0 : i32
      %cond3A_387 = arith.cmpi ne, %convert_element_type3A_385, %cond3A_386 : i32
      scf.if %cond3A_387 {
        %mul3A_401 = arith.constant 16 : i32
        %mul3A_402 = arith.muli %add3A_378, %mul3A_401 : i32
        %get3A_403 = arith.index_cast %mul3A_402 : i32 to index
        %get3A_404 = tpu.vector_load %arg5[%get3A_403] {strides = array<i32>} : memref<16384xi32, #tpu.memory_space<vmem>>, vector<16xi32>,
        %mul3A_405 = arith.constant 16 : i32
        %mul3A_406 = arith.muli %add3A_378, %mul3A_405 : i32
        %add3A_407 = vector.broadcast %mul3A_406 : i32 to vector<16xi32>
        %add3A_408 = arith.addi %iota3A, %add3A_407 : vector<16xi32>
        %shift_right_logical3A_409 = arith.constant 15 : i32
        %shift_right_logical3A_410 = vector.broadcast %shift_right_logical3A_409 : i32 to vector<16xi32>
        %shift_right_logical3A_411 = arith.shrui %get3A_404, %shift_right_logical3A_410 : vector<16xi32>
        %eq3A_412 = vector.broadcast %add3A : i32 to vector<16xi32>
        %eq3A_413 = arith.cmpi eq, %shift_right_logical3A_411, %eq3A_412 : vector<16xi32>
        %and3A = arith.constant 32767 : i32
        %and3A_414 = vector.broadcast %and3A : i32 to vector<16xi32>
        %and3A_415 = arith.andi %get3A_404, %and3A_414 : vector<16xi32>
        tpu.vector_store_idx %arg6[%and3A_415], %add3A_408 masked %eq3A_413 : memref<32768xi32, #tpu.memory_space<vmem>>[vector<16xi32>], vector<16xi32>, vector<16xi1>
        %swap3A_416 = arith.index_cast %squeeze3A_384 : i32 to index
        %swap3A_417 = tpu.vector_load %arg7[%swap3A_416] masked %eq3A_413 {strides = array<i32>} : memref<16512xi32, #tpu.memory_space<vmem>>, vector<16xi32>, vector<16xi1>
        tpu.vector_store %arg7[%swap3A_416], %add3A_408 masked %eq3A_413 {strides = array<i32>} : memref<16512xi32, #tpu.memory_space<vmem>>, vector<16xi32>, vector<16xi1>
        %swap3A_418 = arith.index_cast %squeeze3A_384 : i32 to index
        %swap3A_419 = tpu.vector_load %arg8[%swap3A_418] masked %eq3A_413 {strides = array<i32>} : memref<16512xi32, #tpu.memory_space<vmem>>, vector<16xi32>, vector<16xi1>
        tpu.vector_store %arg8[%swap3A_418], %and3A_415 masked %eq3A_413 {strides = array<i32>} : memref<16512xi32, #tpu.memory_space<vmem>>, vector<16xi32>, vector<16xi1>
        %gt3A_420 = arith.constant 1 : i32
        %gt3A_421 = arith.cmpi sgt, %squeeze3A_380, %gt3A_420 : i32
        %convert_element_type3A_422 = arith.extui %gt3A_421 : i1 to i32
        %cond3A_423 = arith.constant 0 : i32
        %cond3A_424 = arith.cmpi ne, %convert_element_type3A_422, %cond3A_423 : i32
        scf.if %cond3A_424 {
          %while3A_425 = arith.constant 1 : i32
          %while3A_426 = scf.while (%while3A_427 = %while3A_425) : (i32) -> i32 {
            %gt3A_428 = arith.constant 0 : i32
            %gt3A_429 = arith.cmpi sgt, %while3A_427, %gt3A_428 : i32
            scf.condition(%gt3A_429) %while3A_427 : i32
          } do {
          ^bb0(%while3A_427: i32):
            %gather3A = tpu.vector_load_idx %arg6[%and3A_415] masked %eq3A_413 : memref<32768xi32, #tpu.memory_space<vmem>>[vector<16xi32>], vector<16xi32>, vector<16xi1>
            %gt3A_428 = arith.cmpi sgt, %add3A_408, %gather3A : vector<16xi32>
            %and3A_429 = arith.andi %eq3A_413, %gt3A_428 : vector<16xi1>
            tpu.vector_store_idx %arg6[%and3A_415], %add3A_408 masked %and3A_429 : memref<32768xi32, #tpu.memory_space<vmem>>[vector<16xi32>], vector<16xi32>, vector<16xi1>
            %all_reduce_population_count3A = tpu.all_reduce %and3A_429 {dim = 0 : i64, kind = #tpu.reduction_kind<sum>} : vector<16xi1> -> vector<16xi32>
            %slice3A_430 = vector.extract_strided_slice %all_reduce_population_count3A {offsets = [0], sizes = [1], strides = [1]} : vector<16xi32> to vector<1xi32>
            %squeeze3A_431 = vector.extract %slice3A_430[0] : i32 from vector<1xi32>
            scf.yield %squeeze3A_431 : i32
          }
        } else {
        }
      } else {
      }
      %mul3A_388 = arith.constant 16 : i32
      %mul3A_389 = arith.muli %scan3A_190, %mul3A_388 : i32
      %add3A_390 = arith.constant 15 : i32
      %add3A_391 = arith.addi %mul3A_389, %add3A_390 : i32
      %slice3A_392 = vector.extract_strided_slice %get3A_193 {offsets = [15], sizes = [1], strides = [1]} : vector<16xi32> to vector<1xi32>
      %squeeze3A_393 = vector.extract %slice3A_392[0] : i32 from vector<1xi32>
      %gt3A_394 = arith.constant 0 : i32
      %gt3A_395 = arith.cmpi sgt, %squeeze3A_393, %gt3A_394 : i32
      %slice3A_396 = vector.extract_strided_slice %get3A_197 {offsets = [15], sizes = [1], strides = [1]} : vector<16xi32> to vector<1xi32>
      %squeeze3A_397 = vector.extract %slice3A_396[0] : i32 from vector<1xi32>
      %convert_element_type3A_398 = arith.extui %gt3A_395 : i1 to i32
      %cond3A_399 = arith.constant 0 : i32
      %cond3A_400 = arith.cmpi ne, %convert_element_type3A_398, %cond3A_399 : i32
      scf.if %cond3A_400 {
        %mul3A_401 = arith.constant 16 : i32
        %mul3A_402 = arith.muli %add3A_391, %mul3A_401 : i32
        %get3A_403 = arith.index_cast %mul3A_402 : i32 to index
        %get3A_404 = tpu.vector_load %arg5[%get3A_403] {strides = array<i32>} : memref<16384xi32, #tpu.memory_space<vmem>>, vector<16xi32>,
        %mul3A_405 = arith.constant 16 : i32
        %mul3A_406 = arith.muli %add3A_391, %mul3A_405 : i32
        %add3A_407 = vector.broadcast %mul3A_406 : i32 to vector<16xi32>
        %add3A_408 = arith.addi %iota3A, %add3A_407 : vector<16xi32>
        %shift_right_logical3A_409 = arith.constant 15 : i32
        %shift_right_logical3A_410 = vector.broadcast %shift_right_logical3A_409 : i32 to vector<16xi32>
        %shift_right_logical3A_411 = arith.shrui %get3A_404, %shift_right_logical3A_410 : vector<16xi32>
        %eq3A_412 = vector.broadcast %add3A : i32 to vector<16xi32>
        %eq3A_413 = arith.cmpi eq, %shift_right_logical3A_411, %eq3A_412 : vector<16xi32>
        %and3A = arith.constant 32767 : i32
        %and3A_414 = vector.broadcast %and3A : i32 to vector<16xi32>
        %and3A_415 = arith.andi %get3A_404, %and3A_414 : vector<16xi32>
        tpu.vector_store_idx %arg6[%and3A_415], %add3A_408 masked %eq3A_413 : memref<32768xi32, #tpu.memory_space<vmem>>[vector<16xi32>], vector<16xi32>, vector<16xi1>
        %swap3A_416 = arith.index_cast %squeeze3A_397 : i32 to index
        %swap3A_417 = tpu.vector_load %arg7[%swap3A_416] masked %eq3A_413 {strides = array<i32>} : memref<16512xi32, #tpu.memory_space<vmem>>, vector<16xi32>, vector<16xi1>
        tpu.vector_store %arg7[%swap3A_416], %add3A_408 masked %eq3A_413 {strides = array<i32>} : memref<16512xi32, #tpu.memory_space<vmem>>, vector<16xi32>, vector<16xi1>
        %swap3A_418 = arith.index_cast %squeeze3A_397 : i32 to index
        %swap3A_419 = tpu.vector_load %arg8[%swap3A_418] masked %eq3A_413 {strides = array<i32>} : memref<16512xi32, #tpu.memory_space<vmem>>, vector<16xi32>, vector<16xi1>
        tpu.vector_store %arg8[%swap3A_418], %and3A_415 masked %eq3A_413 {strides = array<i32>} : memref<16512xi32, #tpu.memory_space<vmem>>, vector<16xi32>, vector<16xi1>
        %gt3A_420 = arith.constant 1 : i32
        %gt3A_421 = arith.cmpi sgt, %squeeze3A_393, %gt3A_420 : i32
        %convert_element_type3A_422 = arith.extui %gt3A_421 : i1 to i32
        %cond3A_423 = arith.constant 0 : i32
        %cond3A_424 = arith.cmpi ne, %convert_element_type3A_422, %cond3A_423 : i32
        scf.if %cond3A_424 {
          %while3A_425 = arith.constant 1 : i32
          %while3A_426 = scf.while (%while3A_427 = %while3A_425) : (i32) -> i32 {
            %gt3A_428 = arith.constant 0 : i32
            %gt3A_429 = arith.cmpi sgt, %while3A_427, %gt3A_428 : i32
            scf.condition(%gt3A_429) %while3A_427 : i32
          } do {
          ^bb0(%while3A_427: i32):
            %gather3A = tpu.vector_load_idx %arg6[%and3A_415] masked %eq3A_413 : memref<32768xi32, #tpu.memory_space<vmem>>[vector<16xi32>], vector<16xi32>, vector<16xi1>
            %gt3A_428 = arith.cmpi sgt, %add3A_408, %gather3A : vector<16xi32>
            %and3A_429 = arith.andi %eq3A_413, %gt3A_428 : vector<16xi1>
            tpu.vector_store_idx %arg6[%and3A_415], %add3A_408 masked %and3A_429 : memref<32768xi32, #tpu.memory_space<vmem>>[vector<16xi32>], vector<16xi32>, vector<16xi1>
            %all_reduce_population_count3A = tpu.all_reduce %and3A_429 {dim = 0 : i64, kind = #tpu.reduction_kind<sum>} : vector<16xi1> -> vector<16xi32>
            %slice3A_430 = vector.extract_strided_slice %all_reduce_population_count3A {offsets = [0], sizes = [1], strides = [1]} : vector<16xi32> to vector<1xi32>
            %squeeze3A_431 = vector.extract %slice3A_430[0] : i32 from vector<1xi32>
            scf.yield %squeeze3A_431 : i32
          }
        } else {
        }
      } else {
      }
    }
    %scan3A_16 = arith.constant 64 : i32
    %broadcast_in_dim3A = arith.constant 0 : i32
    %broadcast_in_dim3A_17 = vector.broadcast %broadcast_in_dim3A : i32 to vector<16xi32>
    %swap3A = arith.index_cast %scan3A_9 : i32 to index
    %swap3A_18 = tpu.vector_load %arg8[%swap3A] {strides = array<i32>} : memref<16512xi32, #tpu.memory_space<vmem>>, vector<16xi32>,
    tpu.vector_store %arg8[%swap3A], %broadcast_in_dim3A_17 {strides = array<i32>} : memref<16512xi32, #tpu.memory_space<vmem>>, vector<16xi32>,
    %add3A_19 = arith.constant 15 : i32
    %add3A_20 = arith.addi %scan3A_9, %add3A_19 : i32
    %shift_right_logical3A = arith.constant 4 : i32
    %shift_right_logical3A_21 = arith.shrui %add3A_20, %shift_right_logical3A : i32
    %while3A = arith.constant 0 : i32
    %while3A_22 = arith.constant 0 : i32
    %while3A_23 = arith.subi %shift_right_logical3A_21, %while3A_22 : i32
    %while3A_24 = arith.addi %while3A_22, %while3A_23 : i32
    %while3A_25 = arith.constant 1 : i32
    %while3A_26 = arith.divsi %while3A_23, %while3A_25 : i32
    %while3A_27 = arith.muli %while3A_26, %while3A_25 : i32
    %while3A_28 = arith.addi %while3A_22, %while3A_27 : i32
    %while3A_29 = arith.constant 1 : i32
    scf.for %while3A_190 = %while3A_22 to %while3A_28 step %while3A_29  : i32 {
      %mul3A_191 = arith.constant 16 : i32
      %mul3A_192 = arith.muli %while3A_190, %mul3A_191 : i32
      %get3A = arith.index_cast %mul3A_192 : i32 to index
      %get3A_193 = tpu.vector_load %arg8[%get3A] {strides = array<i32>} : memref<16512xi32, #tpu.memory_space<vmem>>, vector<16xi32>,
      %gather3A = tpu.vector_load_idx %arg6[%get3A_193] : memref<32768xi32, #tpu.memory_space<vmem>>[vector<16xi32>], vector<16xi32>,
      %mul3A_194 = arith.constant 16 : i32
      %mul3A_195 = arith.muli %while3A_190, %mul3A_194 : i32
      %swap3A_196 = arith.index_cast %mul3A_195 : i32 to index
      %swap3A_197 = tpu.vector_load %arg8[%swap3A_196] {strides = array<i32>} : memref<16512xi32, #tpu.memory_space<vmem>>, vector<16xi32>,
      tpu.vector_store %arg8[%swap3A_196], %gather3A {strides = array<i32>} : memref<16512xi32, #tpu.memory_space<vmem>>, vector<16xi32>,
    }
    %while3A_30 = arith.constant 1 : i32
    scf.for %while3A_190 = %while3A_28 to %while3A_24 step %while3A_30  : i32 {
      %mul3A_191 = arith.constant 16 : i32
      %mul3A_192 = arith.muli %while3A_190, %mul3A_191 : i32
      %get3A = arith.index_cast %mul3A_192 : i32 to index
      %get3A_193 = tpu.vector_load %arg8[%get3A] {strides = array<i32>} : memref<16512xi32, #tpu.memory_space<vmem>>, vector<16xi32>,
      %gather3A = tpu.vector_load_idx %arg6[%get3A_193] : memref<32768xi32, #tpu.memory_space<vmem>>[vector<16xi32>], vector<16xi32>,
      %mul3A_194 = arith.constant 16 : i32
      %mul3A_195 = arith.muli %while3A_190, %mul3A_194 : i32
      %swap3A_196 = arith.index_cast %mul3A_195 : i32 to index
      %swap3A_197 = tpu.vector_load %arg8[%swap3A_196] {strides = array<i32>} : memref<16512xi32, #tpu.memory_space<vmem>>, vector<16xi32>,
      tpu.vector_store %arg8[%swap3A_196], %gather3A {strides = array<i32>} : memref<16512xi32, #tpu.memory_space<vmem>>, vector<16xi32>,
    }
    %add3A_31 = arith.constant 0 : i32
    %add3A_32 = vector.broadcast %add3A_31 : i32 to vector<16xi32>
    %add3A_33 = arith.addi %iota3A, %add3A_32 : vector<16xi32>
    %add3A_34 = arith.constant 16384 : i32
    %add3A_35 = vector.broadcast %add3A_34 : i32 to vector<16xi32>
    %add3A_36 = arith.addi %add3A_33, %add3A_35 : vector<16xi32>
    %add3A_37 = arith.constant 0 : i32
    %add3A_38 = arith.addi %scan3A_9, %add3A_37 : i32
    %swap3A_39 = arith.index_cast %add3A_38 : i32 to index
    %swap3A_40 = tpu.vector_load %arg7[%swap3A_39] {strides = array<i32>} : memref<16512xi32, #tpu.memory_space<vmem>>, vector<16xi32>,
    tpu.vector_store %arg7[%swap3A_39], %add3A_36 {strides = array<i32>} : memref<16512xi32, #tpu.memory_space<vmem>>, vector<16xi32>,
    %mul3A_41 = arith.constant 128 : i32
    %mul3A_42 = arith.muli %add3A, %mul3A_41 : i32
    %add3A_43 = vector.broadcast %mul3A_42 : i32 to vector<16xi32>
    %add3A_44 = arith.addi %add3A_33, %add3A_43 : vector<16xi32>
    %add3A_45 = arith.constant 0 : i32
    %add3A_46 = arith.addi %scan3A_9, %add3A_45 : i32
    %swap3A_47 = arith.index_cast %add3A_46 : i32 to index
    %swap3A_48 = tpu.vector_load %arg8[%swap3A_47] {strides = array<i32>} : memref<16512xi32, #tpu.memory_space<vmem>>, vector<16xi32>,
    tpu.vector_store %arg8[%swap3A_47], %add3A_44 {strides = array<i32>} : memref<16512xi32, #tpu.memory_space<vmem>>, vector<16xi32>,
    %add3A_49 = arith.constant 16 : i32
    %add3A_50 = vector.broadcast %add3A_49 : i32 to vector<16xi32>
    %add3A_51 = arith.addi %iota3A, %add3A_50 : vector<16xi32>
    %add3A_52 = arith.constant 16384 : i32
    %add3A_53 = vector.broadcast %add3A_52 : i32 to vector<16xi32>
    %add3A_54 = arith.addi %add3A_51, %add3A_53 : vector<16xi32>
    %add3A_55 = arith.constant 16 : i32
    %add3A_56 = arith.addi %scan3A_9, %add3A_55 : i32
    %swap3A_57 = arith.index_cast %add3A_56 : i32 to index
    %swap3A_58 = tpu.vector_load %arg7[%swap3A_57] {strides = array<i32>} : memref<16512xi32, #tpu.memory_space<vmem>>, vector<16xi32>,
    tpu.vector_store %arg7[%swap3A_57], %add3A_54 {strides = array<i32>} : memref<16512xi32, #tpu.memory_space<vmem>>, vector<16xi32>,
    %mul3A_59 = arith.constant 128 : i32
    %mul3A_60 = arith.muli %add3A, %mul3A_59 : i32
    %add3A_61 = vector.broadcast %mul3A_60 : i32 to vector<16xi32>
    %add3A_62 = arith.addi %add3A_51, %add3A_61 : vector<16xi32>
    %add3A_63 = arith.constant 16 : i32
    %add3A_64 = arith.addi %scan3A_9, %add3A_63 : i32
    %swap3A_65 = arith.index_cast %add3A_64 : i32 to index
    %swap3A_66 = tpu.vector_load %arg8[%swap3A_65] {strides = array<i32>} : memref<16512xi32, #tpu.memory_space<vmem>>, vector<16xi32>,
    tpu.vector_store %arg8[%swap3A_65], %add3A_62 {strides = array<i32>} : memref<16512xi32, #tpu.memory_space<vmem>>, vector<16xi32>,
    %add3A_67 = arith.constant 32 : i32
    %add3A_68 = vector.broadcast %add3A_67 : i32 to vector<16xi32>
    %add3A_69 = arith.addi %iota3A, %add3A_68 : vector<16xi32>
    %add3A_70 = arith.constant 16384 : i32
    %add3A_71 = vector.broadcast %add3A_70 : i32 to vector<16xi32>
    %add3A_72 = arith.addi %add3A_69, %add3A_71 : vector<16xi32>
    %add3A_73 = arith.constant 32 : i32
    %add3A_74 = arith.addi %scan3A_9, %add3A_73 : i32
    %swap3A_75 = arith.index_cast %add3A_74 : i32 to index
    %swap3A_76 = tpu.vector_load %arg7[%swap3A_75] {strides = array<i32>} : memref<16512xi32, #tpu.memory_space<vmem>>, vector<16xi32>,
    tpu.vector_store %arg7[%swap3A_75], %add3A_72 {strides = array<i32>} : memref<16512xi32, #tpu.memory_space<vmem>>, vector<16xi32>,
    %mul3A_77 = arith.constant 128 : i32
    %mul3A_78 = arith.muli %add3A, %mul3A_77 : i32
    %add3A_79 = vector.broadcast %mul3A_78 : i32 to vector<16xi32>
    %add3A_80 = arith.addi %add3A_69, %add3A_79 : vector<16xi32>
    %add3A_81 = arith.constant 32 : i32
    %add3A_82 = arith.addi %scan3A_9, %add3A_81 : i32
    %swap3A_83 = arith.index_cast %add3A_82 : i32 to index
    %swap3A_84 = tpu.vector_load %arg8[%swap3A_83] {strides = array<i32>} : memref<16512xi32, #tpu.memory_space<vmem>>, vector<16xi32>,
    tpu.vector_store %arg8[%swap3A_83], %add3A_80 {strides = array<i32>} : memref<16512xi32, #tpu.memory_space<vmem>>, vector<16xi32>,
    %add3A_85 = arith.constant 48 : i32
    %add3A_86 = vector.broadcast %add3A_85 : i32 to vector<16xi32>
    %add3A_87 = arith.addi %iota3A, %add3A_86 : vector<16xi32>
    %add3A_88 = arith.constant 16384 : i32
    %add3A_89 = vector.broadcast %add3A_88 : i32 to vector<16xi32>
    %add3A_90 = arith.addi %add3A_87, %add3A_89 : vector<16xi32>
    %add3A_91 = arith.constant 48 : i32
    %add3A_92 = arith.addi %scan3A_9, %add3A_91 : i32
    %swap3A_93 = arith.index_cast %add3A_92 : i32 to index
    %swap3A_94 = tpu.vector_load %arg7[%swap3A_93] {strides = array<i32>} : memref<16512xi32, #tpu.memory_space<vmem>>, vector<16xi32>,
    tpu.vector_store %arg7[%swap3A_93], %add3A_90 {strides = array<i32>} : memref<16512xi32, #tpu.memory_space<vmem>>, vector<16xi32>,
    %mul3A_95 = arith.constant 128 : i32
    %mul3A_96 = arith.muli %add3A, %mul3A_95 : i32
    %add3A_97 = vector.broadcast %mul3A_96 : i32 to vector<16xi32>
    %add3A_98 = arith.addi %add3A_87, %add3A_97 : vector<16xi32>
    %add3A_99 = arith.constant 48 : i32
    %add3A_100 = arith.addi %scan3A_9, %add3A_99 : i32
    %swap3A_101 = arith.index_cast %add3A_100 : i32 to index
    %swap3A_102 = tpu.vector_load %arg8[%swap3A_101] {strides = array<i32>} : memref<16512xi32, #tpu.memory_space<vmem>>, vector<16xi32>,
    tpu.vector_store %arg8[%swap3A_101], %add3A_98 {strides = array<i32>} : memref<16512xi32, #tpu.memory_space<vmem>>, vector<16xi32>,
    %add3A_103 = arith.constant 64 : i32
    %add3A_104 = vector.broadcast %add3A_103 : i32 to vector<16xi32>
    %add3A_105 = arith.addi %iota3A, %add3A_104 : vector<16xi32>
    %add3A_106 = arith.constant 16384 : i32
    %add3A_107 = vector.broadcast %add3A_106 : i32 to vector<16xi32>
    %add3A_108 = arith.addi %add3A_105, %add3A_107 : vector<16xi32>
    %add3A_109 = arith.constant 64 : i32
    %add3A_110 = arith.addi %scan3A_9, %add3A_109 : i32
    %swap3A_111 = arith.index_cast %add3A_110 : i32 to index
    %swap3A_112 = tpu.vector_load %arg7[%swap3A_111] {strides = array<i32>} : memref<16512xi32, #tpu.memory_space<vmem>>, vector<16xi32>,
    tpu.vector_store %arg7[%swap3A_111], %add3A_108 {strides = array<i32>} : memref<16512xi32, #tpu.memory_space<vmem>>, vector<16xi32>,
    %mul3A_113 = arith.constant 128 : i32
    %mul3A_114 = arith.muli %add3A, %mul3A_113 : i32
    %add3A_115 = vector.broadcast %mul3A_114 : i32 to vector<16xi32>
    %add3A_116 = arith.addi %add3A_105, %add3A_115 : vector<16xi32>
    %add3A_117 = arith.constant 64 : i32
    %add3A_118 = arith.addi %scan3A_9, %add3A_117 : i32
    %swap3A_119 = arith.index_cast %add3A_118 : i32 to index
    %swap3A_120 = tpu.vector_load %arg8[%swap3A_119] {strides = array<i32>} : memref<16512xi32, #tpu.memory_space<vmem>>, vector<16xi32>,
    tpu.vector_store %arg8[%swap3A_119], %add3A_116 {strides = array<i32>} : memref<16512xi32, #tpu.memory_space<vmem>>, vector<16xi32>,
    %add3A_121 = arith.constant 80 : i32
    %add3A_122 = vector.broadcast %add3A_121 : i32 to vector<16xi32>
    %add3A_123 = arith.addi %iota3A, %add3A_122 : vector<16xi32>
    %add3A_124 = arith.constant 16384 : i32
    %add3A_125 = vector.broadcast %add3A_124 : i32 to vector<16xi32>
    %add3A_126 = arith.addi %add3A_123, %add3A_125 : vector<16xi32>
    %add3A_127 = arith.constant 80 : i32
    %add3A_128 = arith.addi %scan3A_9, %add3A_127 : i32
    %swap3A_129 = arith.index_cast %add3A_128 : i32 to index
    %swap3A_130 = tpu.vector_load %arg7[%swap3A_129] {strides = array<i32>} : memref<16512xi32, #tpu.memory_space<vmem>>, vector<16xi32>,
    tpu.vector_store %arg7[%swap3A_129], %add3A_126 {strides = array<i32>} : memref<16512xi32, #tpu.memory_space<vmem>>, vector<16xi32>,
    %mul3A_131 = arith.constant 128 : i32
    %mul3A_132 = arith.muli %add3A, %mul3A_131 : i32
    %add3A_133 = vector.broadcast %mul3A_132 : i32 to vector<16xi32>
    %add3A_134 = arith.addi %add3A_123, %add3A_133 : vector<16xi32>
    %add3A_135 = arith.constant 80 : i32
    %add3A_136 = arith.addi %scan3A_9, %add3A_135 : i32
    %swap3A_137 = arith.index_cast %add3A_136 : i32 to index
    %swap3A_138 = tpu.vector_load %arg8[%swap3A_137] {strides = array<i32>} : memref<16512xi32, #tpu.memory_space<vmem>>, vector<16xi32>,
    tpu.vector_store %arg8[%swap3A_137], %add3A_134 {strides = array<i32>} : memref<16512xi32, #tpu.memory_space<vmem>>, vector<16xi32>,
    %add3A_139 = arith.constant 96 : i32
    %add3A_140 = vector.broadcast %add3A_139 : i32 to vector<16xi32>
    %add3A_141 = arith.addi %iota3A, %add3A_140 : vector<16xi32>
    %add3A_142 = arith.constant 16384 : i32
    %add3A_143 = vector.broadcast %add3A_142 : i32 to vector<16xi32>
    %add3A_144 = arith.addi %add3A_141, %add3A_143 : vector<16xi32>
    %add3A_145 = arith.constant 96 : i32
    %add3A_146 = arith.addi %scan3A_9, %add3A_145 : i32
    %swap3A_147 = arith.index_cast %add3A_146 : i32 to index
    %swap3A_148 = tpu.vector_load %arg7[%swap3A_147] {strides = array<i32>} : memref<16512xi32, #tpu.memory_space<vmem>>, vector<16xi32>,
    tpu.vector_store %arg7[%swap3A_147], %add3A_144 {strides = array<i32>} : memref<16512xi32, #tpu.memory_space<vmem>>, vector<16xi32>,
    %mul3A_149 = arith.constant 128 : i32
    %mul3A_150 = arith.muli %add3A, %mul3A_149 : i32
    %add3A_151 = vector.broadcast %mul3A_150 : i32 to vector<16xi32>
    %add3A_152 = arith.addi %add3A_141, %add3A_151 : vector<16xi32>
    %add3A_153 = arith.constant 96 : i32
    %add3A_154 = arith.addi %scan3A_9, %add3A_153 : i32
    %swap3A_155 = arith.index_cast %add3A_154 : i32 to index
    %swap3A_156 = tpu.vector_load %arg8[%swap3A_155] {strides = array<i32>} : memref<16512xi32, #tpu.memory_space<vmem>>, vector<16xi32>,
    tpu.vector_store %arg8[%swap3A_155], %add3A_152 {strides = array<i32>} : memref<16512xi32, #tpu.memory_space<vmem>>, vector<16xi32>,
    %add3A_157 = arith.constant 112 : i32
    %add3A_158 = vector.broadcast %add3A_157 : i32 to vector<16xi32>
    %add3A_159 = arith.addi %iota3A, %add3A_158 : vector<16xi32>
    %add3A_160 = arith.constant 16384 : i32
    %add3A_161 = vector.broadcast %add3A_160 : i32 to vector<16xi32>
    %add3A_162 = arith.addi %add3A_159, %add3A_161 : vector<16xi32>
    %add3A_163 = arith.constant 112 : i32
    %add3A_164 = arith.addi %scan3A_9, %add3A_163 : i32
    %swap3A_165 = arith.index_cast %add3A_164 : i32 to index
    %swap3A_166 = tpu.vector_load %arg7[%swap3A_165] {strides = array<i32>} : memref<16512xi32, #tpu.memory_space<vmem>>, vector<16xi32>,
    tpu.vector_store %arg7[%swap3A_165], %add3A_162 {strides = array<i32>} : memref<16512xi32, #tpu.memory_space<vmem>>, vector<16xi32>,
    %mul3A_167 = arith.constant 128 : i32
    %mul3A_168 = arith.muli %add3A, %mul3A_167 : i32
    %add3A_169 = vector.broadcast %mul3A_168 : i32 to vector<16xi32>
    %add3A_170 = arith.addi %add3A_159, %add3A_169 : vector<16xi32>
    %add3A_171 = arith.constant 112 : i32
    %add3A_172 = arith.addi %scan3A_9, %add3A_171 : i32
    %swap3A_173 = arith.index_cast %add3A_172 : i32 to index
    %swap3A_174 = tpu.vector_load %arg8[%swap3A_173] {strides = array<i32>} : memref<16512xi32, #tpu.memory_space<vmem>>, vector<16xi32>,
    tpu.vector_store %arg8[%swap3A_173], %add3A_170 {strides = array<i32>} : memref<16512xi32, #tpu.memory_space<vmem>>, vector<16xi32>,
    %add3A_175 = arith.constant 128 : i32
    %add3A_176 = arith.addi %scan3A_9, %add3A_175 : i32
    %sub3A = arith.constant 1 : i32
    %sub3A_177 = arith.subi %add3A_176, %sub3A : i32
    %shift_right_logical3A_178 = arith.constant 7 : i32
    %shift_right_logical3A_179 = arith.shrui %sub3A_177, %shift_right_logical3A_178 : i32
    %while3A_180 = arith.constant 0 : i32
    %while3A_181 = arith.constant 0 : i32
    %while3A_182 = arith.subi %shift_right_logical3A_179, %while3A_181 : i32
    %while3A_183 = arith.addi %while3A_181, %while3A_182 : i32
    %while3A_184 = arith.constant 1 : i32
    %while3A_185 = arith.divsi %while3A_182, %while3A_184 : i32
    %while3A_186 = arith.muli %while3A_185, %while3A_184 : i32
    %while3A_187 = arith.addi %while3A_181, %while3A_186 : i32
    %while3A_188 = arith.constant 1 : i32
    scf.for %while3A_190 = %while3A_181 to %while3A_187 step %while3A_188  : i32 {
      %mul3A_191 = arith.constant 128 : i32
      %mul3A_192 = arith.muli %while3A_190, %mul3A_191 : i32
      %dma_start3A = tpu.memref_slice %arg8[%mul3A_192] : memref<16512xi32, #tpu.memory_space<vmem>> -> memref<128xi32, #tpu.memory_space<vmem>>
      %dma_start3A_193 = arith.constant 0 : i32
      %dma_start3A_194 = arith.constant 0 : i32
      %dma_start3A_195 = tpu.memref_slice %arg3[%dma_start3A_193, %dma_start3A_194] : memref<16384x64xf32, #tpu.memory_space<hbm>> -> memref<16384x64xf32, #tpu.memory_space<hbm>>
      tpu.enqueue_indirect_dma source(%dma_start3A_195 : memref<16384x64xf32, #tpu.memory_space<hbm>>) target(%arg11 : memref<128x64xf32, #tpu.memory_space<vmem>>) offsets(%dma_start3A : memref<128xi32, #tpu.memory_space<vmem>>) semaphore(%arg12 : memref<!tpu.dma_semaphore, #tpu.memory_space<semaphore_mem>>)
      %dma_wait3A = tpu.memref_slice %arg8[%mul3A_192] : memref<16512xi32, #tpu.memory_space<vmem>> -> memref<128xi32, #tpu.memory_space<vmem>>
      %dma_wait3A_196 = arith.constant 0 : i32
      %dma_wait3A_197 = arith.constant 0 : i32
      %dma_wait3A_198 = tpu.memref_slice %arg3[%dma_wait3A_196, %dma_wait3A_197] : memref<16384x64xf32, #tpu.memory_space<hbm>> -> memref<16384x64xf32, #tpu.memory_space<hbm>>
      tpu.wait_indirect_dma semaphore(%arg12 : memref<!tpu.dma_semaphore, #tpu.memory_space<semaphore_mem>>) src(%dma_wait3A_198 : memref<16384x64xf32, #tpu.memory_space<hbm>>) dst(%arg11 : memref<128x64xf32, #tpu.memory_space<vmem>>)
      %dma_start3A_199 = tpu.memref_slice %arg7[%mul3A_192] : memref<16512xi32, #tpu.memory_space<vmem>> -> memref<128xi32, #tpu.memory_space<vmem>>
      %dma_start3A_200 = arith.constant 0 : i32
      %dma_start3A_201 = arith.constant 0 : i32
      %dma_start3A_202 = tpu.memref_slice %arg4[%dma_start3A_200, %dma_start3A_201] : memref<16512x64xf32, #tpu.memory_space<hbm>> -> memref<16512x64xf32, #tpu.memory_space<hbm>>
      tpu.enqueue_indirect_dma source(%arg11 : memref<128x64xf32, #tpu.memory_space<vmem>>) target(%dma_start3A_202 : memref<16512x64xf32, #tpu.memory_space<hbm>>) offsets(%dma_start3A_199 : memref<128xi32, #tpu.memory_space<vmem>>) semaphore(%arg12 : memref<!tpu.dma_semaphore, #tpu.memory_space<semaphore_mem>>)
      %dma_wait3A_203 = tpu.memref_slice %arg7[%mul3A_192] : memref<16512xi32, #tpu.memory_space<vmem>> -> memref<128xi32, #tpu.memory_space<vmem>>
      %dma_wait3A_204 = arith.constant 0 : i32
      %dma_wait3A_205 = arith.constant 0 : i32
      %dma_wait3A_206 = tpu.memref_slice %arg4[%dma_wait3A_204, %dma_wait3A_205] : memref<16512x64xf32, #tpu.memory_space<hbm>> -> memref<16512x64xf32, #tpu.memory_space<hbm>>
      tpu.wait_indirect_dma semaphore(%arg12 : memref<!tpu.dma_semaphore, #tpu.memory_space<semaphore_mem>>) src(%arg11 : memref<128x64xf32, #tpu.memory_space<vmem>>) dst(%dma_wait3A_206 : memref<16512x64xf32, #tpu.memory_space<hbm>>)
    }
    %while3A_189 = arith.constant 1 : i32
    scf.for %while3A_190 = %while3A_187 to %while3A_183 step %while3A_189  : i32 {
      %mul3A_191 = arith.constant 128 : i32
      %mul3A_192 = arith.muli %while3A_190, %mul3A_191 : i32
      %dma_start3A = tpu.memref_slice %arg8[%mul3A_192] : memref<16512xi32, #tpu.memory_space<vmem>> -> memref<128xi32, #tpu.memory_space<vmem>>
      %dma_start3A_193 = arith.constant 0 : i32
      %dma_start3A_194 = arith.constant 0 : i32
      %dma_start3A_195 = tpu.memref_slice %arg3[%dma_start3A_193, %dma_start3A_194] : memref<16384x64xf32, #tpu.memory_space<hbm>> -> memref<16384x64xf32, #tpu.memory_space<hbm>>
      tpu.enqueue_indirect_dma source(%dma_start3A_195 : memref<16384x64xf32, #tpu.memory_space<hbm>>) target(%arg11 : memref<128x64xf32, #tpu.memory_space<vmem>>) offsets(%dma_start3A : memref<128xi32, #tpu.memory_space<vmem>>) semaphore(%arg12 : memref<!tpu.dma_semaphore, #tpu.memory_space<semaphore_mem>>)
      %dma_wait3A = tpu.memref_slice %arg8[%mul3A_192] : memref<16512xi32, #tpu.memory_space<vmem>> -> memref<128xi32, #tpu.memory_space<vmem>>
      %dma_wait3A_196 = arith.constant 0 : i32
      %dma_wait3A_197 = arith.constant 0 : i32
      %dma_wait3A_198 = tpu.memref_slice %arg3[%dma_wait3A_196, %dma_wait3A_197] : memref<16384x64xf32, #tpu.memory_space<hbm>> -> memref<16384x64xf32, #tpu.memory_space<hbm>>
      tpu.wait_indirect_dma semaphore(%arg12 : memref<!tpu.dma_semaphore, #tpu.memory_space<semaphore_mem>>) src(%dma_wait3A_198 : memref<16384x64xf32, #tpu.memory_space<hbm>>) dst(%arg11 : memref<128x64xf32, #tpu.memory_space<vmem>>)
      %dma_start3A_199 = tpu.memref_slice %arg7[%mul3A_192] : memref<16512xi32, #tpu.memory_space<vmem>> -> memref<128xi32, #tpu.memory_space<vmem>>
      %dma_start3A_200 = arith.constant 0 : i32
      %dma_start3A_201 = arith.constant 0 : i32
      %dma_start3A_202 = tpu.memref_slice %arg4[%dma_start3A_200, %dma_start3A_201] : memref<16512x64xf32, #tpu.memory_space<hbm>> -> memref<16512x64xf32, #tpu.memory_space<hbm>>
      tpu.enqueue_indirect_dma source(%arg11 : memref<128x64xf32, #tpu.memory_space<vmem>>) target(%dma_start3A_202 : memref<16512x64xf32, #tpu.memory_space<hbm>>) offsets(%dma_start3A_199 : memref<128xi32, #tpu.memory_space<vmem>>) semaphore(%arg12 : memref<!tpu.dma_semaphore, #tpu.memory_space<semaphore_mem>>)
      %dma_wait3A_203 = tpu.memref_slice %arg7[%mul3A_192] : memref<16512xi32, #tpu.memory_space<vmem>> -> memref<128xi32, #tpu.memory_space<vmem>>
      %dma_wait3A_204 = arith.constant 0 : i32
      %dma_wait3A_205 = arith.constant 0 : i32
      %dma_wait3A_206 = tpu.memref_slice %arg4[%dma_wait3A_204, %dma_wait3A_205] : memref<16512x64xf32, #tpu.memory_space<hbm>> -> memref<16512x64xf32, #tpu.memory_space<hbm>>
      tpu.wait_indirect_dma semaphore(%arg12 : memref<!tpu.dma_semaphore, #tpu.memory_space<semaphore_mem>>) src(%arg11 : memref<128x64xf32, #tpu.memory_space<vmem>>) dst(%dma_wait3A_206 : memref<16512x64xf32, #tpu.memory_space<hbm>>)
    }
    return
  }
}

</mosaic_0001>

<sc_bundles>
// kernel: kernel.3.cloned.1.call-start
scs
__scs_entry_jumppad:
0x0: {  	(pc) =	sbr.rel $0x88, $3  }
0x1: {  	(tag) =	ssettag $0x0;
	lr =	simm.s32 $0x1  }
0x2: {  	[smem:$0x3F9F] =	sst lr;
	_ =	strace $0xD0000000  }
0x3: {  	_ = 	snop  }
0x4: {  	_ = 	snop  }
0x5: {  	_ = 	snop  }
0x6: {  	_ = 	snop  }
0x7: {  	_ = 	snop  }
__scs_overlays_trampoline_lowered:
0x8: {  	[smem:$0x3FAE] =	sst s0  }
0x9: {  	[smem:$0x3FAF] =	sst s1  }
0xa: {  	[smem:$0x3FB0] =	sst s2  }
0xb: {  	[smem:$0x3FB1] =	sst s3  }
0xc: {  	[smem:$0x3FB2] =	sst s4  }
0xd: {  	[smem:$0x3FB3] =	sst s5  }
0xe: {  	[smem:$0x3FB4] =	sst s6  }
0xf: {  	[smem:$0x3FB5] =	sst s7  }
0x10: {  	[smem:$0x3FB6] =	sst s8  }
0x11: {  	[smem:$0x3FB7] =	sst s9;
	s0 =	simm.s32 @!p0 $0x0  }
0x12: {  	s1 =	sld [smem:$0x3F9D];
	s0 =	simm.s32 @p0 $0x1  }
0x13: {  	[smem:$0x3FB8] =	sst s0;
	s0 =	simm.s32 @!p1 $0x0  }
0x14: {  	s2 =	sld [smem:$0x3F9C];
	s0 =	simm.s32 @p1 $0x1  }
0x15: {  	[smem:$0x3FB9] =	sst s0;
	s0 =	simm.s32 @!p2 $0x0  }
0x16: {  	s3 =	sld [smem:$0x3FDB];
	s0 =	simm.s32 @p2 $0x1  }
0x17: {  	s4 =	simm.s32 $0x1BF5;
	[smem:$0x3FBB] =	sst s0  }
0x18: {  	s0 =	sld [smem:$0x3F9E];
	_ =	swait.ge [sflag:s4], $0x0  }
0x19: {  	s7 =	sld [smem:$0x3F9F]  }
0x1a: {  	s8 =	sadd.s32 $0xFFFFE003, lr  }
0x1b: {  	s9 =	sadd.s32 $0xFFFFFEF7, lr;
	s5 =	simm.s32 $0xFFFFFFFF;
	p2 =	slt.u32 s8, $0xFFFFF086  }
0x1c: {  	p1 =	slt.u32 s9, $0xF7A;
	s5 =	simm.s32 @!p2 $0x0  }
0x1d: {  	s5 =	simm.s32 @p1 $0x1;
	p0 =	seq.s32 s7, s2  }
0x1e: {  	s7 =	smul.u32 @!p0 $0xF7A, s2;
	p2 =	seq.s32 @!p0 s5, $0x0  }
0x1f: {  	s9 =	smul.u32 $0xF7A, s1;
	s8 =	simm.s32 @!p0 $0x1BF5;
	p2 =	por !p2, p0  }
0x20: {  	[sflag:s8] =	ssyncset.s32 @!p0 $0xFFFFF086;
	s6 =	sadd.s32 @!p0 s3, s7;
	s7 =	simm.s32 @!p0 $0x108  }
0x21: {  	s3 =	sadd.s32 s3, s9;
	s6 =	sadd.s32 @!p0 $0x88, s6;
	s7 =	simm.s32 @p2 $0x1082  }
0x22: {  	[simem:s7], [sflag:s8] =	dma.local @!p0 [hbm:s6], $0xF7A  }
0x23: {  	s9 =	sor.u32 $0xD0000000, s2;
	s6 =	simm.s32 $0x108;
	_ =	swait.ge @!p0 [sflag:s8], $0x0  }
0x24: {  	s3 =	sadd.s32 $0x88, s3;
	s6 =	simm.s32 @!p1 $0x1082;
	[sflag:s4] =	ssyncset.s32 $0xFFFFF086  }
0x25: {  	[simem:s6], [sflag:s4] =	dma.local [hbm:s3], $0xF7A  }
0x26: {  	[smem:$0x3F9F] =	sst s1;
	(tag) =	ssettag s2;
	_ =	strace s9  }
0x27: {  	s1 =	sld [smem:$0x3FAF]  }
0x28: {  	s2 =	sld [smem:$0x3FB0]  }
0x29: {  	s4 =	sld [smem:$0x3FB2]  }
0x2a: {  	p0 =	seq.s32 s5, $0x0;
	s5 =	sld [smem:$0x3FB3]  }
0x2b: {  	s6 =	sld [smem:$0x3FB4]  }
0x2c: {  	s7 =	sld [smem:$0x3FB5]  }
0x2d: {  	s3 =	simm.s32 $0x108;
	s8 =	sld [smem:$0x3FB6]  }
0x2e: {  	s3 =	simm.s32 @!p0 $0x1082;
	s9 =	sld [smem:$0x3FB7]  }
0x2f: {  	lr =	sadd.s32 s0, s3;
	s0 =	sld [smem:$0x3FAE]  }
0x30: {  	s3 =	sld [smem:$0x3FB1]  }
0x31: {  	[smem:$0x3FBA] =	sst s10  }
0x32: {  	s10 =	sld [smem:$0x3FB8];
	_ =	sdelay $0x3  }
0x33: {  	p0 =	seq.s32 s10, $0x1;
	s10 =	sld [smem:$0x3FBA];
	_ =	sdelay $0x3  }
0x34: {  	[smem:$0x3FBA] =	sst s10  }
0x35: {  	s10 =	sld [smem:$0x3FB9];
	_ =	sdelay $0x3  }
0x36: {  	p1 =	seq.s32 s10, $0x1;
	s10 =	sld [smem:$0x3FBA];
	_ =	sdelay $0x3  }
0x37: {  	[smem:$0x3FBA] =	sst s10  }
0x38: {  	s10 =	sld [smem:$0x3FBB]  }
0x39: {  	_ = 	snop;
	(pc) =	sbr.ind lr, $3  }
0x3a: {  	_ = 	snop  }
0x3b: {  	_ = 	snop  }
0x3c: {  	p2 =	seq.s32 s10, $0x1;
	s10 =	sld [smem:$0x3FBA]  }
0x3d: {  	_ =	shalt  }
0x3e: {  	_ =	shalt  }
0x3f: {  	_ =	shalt  }
0x40: {  	_ =	shalt  }
0x41: {  	_ =	shalt  }
0x42: {  	_ =	shalt  }
0x43: {  	_ =	shalt  }
0x44: {  	_ =	shalt  }
0x45: {  	_ =	shalt  }
0x46: {  	_ =	shalt  }
0x47: {  	_ =	shalt  }
0x48: {  	_ =	shalt  }
0x49: {  	_ =	shalt  }
0x4a: {  	_ =	shalt  }
0x4b: {  	_ =	shalt  }
0x4c: {  	_ =	shalt  }
0x4d: {  	_ =	shalt  }
0x4e: {  	_ =	shalt  }
0x4f: {  	_ =	shalt  }
0x50: {  	_ =	shalt  }
0x51: {  	_ =	shalt  }
0x52: {  	_ =	shalt  }
0x53: {  	_ =	shalt  }
0x54: {  	_ =	shalt  }
0x55: {  	_ =	shalt  }
0x56: {  	_ =	shalt  }
0x57: {  	_ =	shalt  }
0x58: {  	_ =	shalt  }
0x59: {  	_ =	shalt  }
0x5a: {  	_ =	shalt  }
0x5b: {  	_ =	shalt  }
0x5c: {  	_ =	shalt  }
0x5d: {  	_ =	shalt  }
0x5e: {  	_ =	shalt  }
0x5f: {  	_ =	shalt  }
0x60: {  	_ =	shalt  }
0x61: {  	_ =	shalt  }
0x62: {  	_ =	shalt  }
0x63: {  	_ =	shalt  }
0x64: {  	_ =	shalt  }
0x65: {  	_ =	shalt  }
0x66: {  	_ =	shalt  }
0x67: {  	_ =	shalt  }
0x68: {  	_ =	shalt  }
0x69: {  	_ =	shalt  }
0x6a: {  	_ =	shalt  }
0x6b: {  	_ =	shalt  }
0x6c: {  	_ =	shalt  }
0x6d: {  	_ =	shalt  }
0x6e: {  	_ =	shalt  }
0x6f: {  	_ =	shalt  }
0x70: {  	_ =	shalt  }
0x71: {  	_ =	shalt  }
0x72: {  	_ =	shalt  }
0x73: {  	_ =	shalt  }
0x74: {  	_ =	shalt  }
0x75: {  	_ =	shalt  }
0x76: {  	_ =	shalt  }
0x77: {  	_ =	shalt  }
0x78: {  	_ =	shalt  }
0x79: {  	_ =	shalt  }
0x7a: {  	_ =	shalt  }
0x7b: {  	_ =	shalt  }
0x7c: {  	_ =	shalt  }
0x7d: {  	_ =	shalt  }
0x7e: {  	_ =	shalt  }
0x7f: {  	_ =	shalt  }
0x80: {  	_ =	shalt  }
0x81: {  	_ =	shalt  }
0x82: {  	_ =	shalt  }
0x83: {  	_ =	shalt  }
0x84: {  	_ =	shalt  }
0x85: {  	_ =	shalt  }
0x86: {  	_ =	shalt  }
0x87: {  	_ =	shalt  }
.Lfunc_end0:
.L_simem_size_0:
called_computation_lowered:
.L_overlay_start_0:
0x88: {  	s2 =	sld [smem:$0x3FD9]  }
0x89: {  	s3 =	sld [smem:$0x3FFE];
	_ =	sdelay $0x1  }
0x8a: {  	s1 =	srdreg.scid  }
0x8b: {  	s0 =	sand.u32 $0x1, s1  }
0x8c: {  	s17 =	sshll.u32 s0, $0xA;
	s2 =	sadd.s32 s3, s2  }
0x8d: {  	s2 =	sadd.s32 s2, s17  }
0x8e: {  	[smem:$0x3FC6] =	sst s2  }
0x8f: {  	_ = 	snop  }
0x90: {  	s2 =	sld [smem:$0x3FC9]  }
0x91: {  	s18 =	sld [smem:$0x3FD0];
	(tm) =	ssettm $0x1  }
0x92: {  	s4 =	sld [smem:$0x3FFB];
	_ =	sdelay $0x3  }
0x93: {  	_ =	strace s4  }
0x94: {  	s4 =	sld [smem:$0x3FFC];
	_ =	sdelay $0x3  }
0x95: {  	_ =	strace s4  }
0x96: {  	s4 =	sld [smem:$0x3FFD];
	_ =	sdelay $0x3  }
0x97: {  	_ =	strace s4  }
0x98: {  	_ =	strace $0x8FFFFFFF  }
0x99: {  	s19 =	sld [smem:$0x3FDB];
	_ =	sdelay $0x1  }
0x9a: {  	s5 =	simm.s32 $_scs_section_size  }
0x9b: {  	s6 =	simm.s32 $_size__tile_overlayer_lowered;
	s7 =	simm.s32 $_tile_overlayer_lowered  }
0x9c: {  	s22 =	simm.s32 $0x1BFF;
	s21 =	sshll.u32 s7, $0x1;
	s4 =	sadd.s32 s5, s19  }
0x9d: {  	s8 =	simm.s32 $0x0;
	s20 =	sshll.u32 s6, $0x1;
	s6 =	sadd.s32 s21, s4  }
0x9e: {  	[timem:s8], [sflag:s22] =	dma.local [hbm:s6], s20  }
0x9f: {  	_ =	swait.ge [sflag:s22], s20  }
0xa0: {  	s5 =	ssub.s32 $0x0, s20;
	[sflag:s22] =	ssyncset.done $0x0  }
0xa1: {  	[sflag:s22] =	ssyncadd.s32 s5;
	_ =	sdelay $0x1  }
0xa2: {  	s23 =	simm.s32 $0x1B8B  }
0xa3: {  	_ =	swait.ge [sflag:s23], $0x1  }
0xa4: {  	[sflag:s23] =	ssyncset.done $0x0  }
0xa5: {  	s25 =	simm.s32 $0x1B8E;
	s24 =	sld [smem:$0x3FFE];
	[sflag:s23] =	ssyncadd.s32 $0xFFFFFFFF  }
0xa6: {  	s26 =	simm.s32 $execute0_lowered;
	[smem:$0x3FD2] =	sst s25  }
0xa7: {  	s6 =	sshll.u32 s26, $0x1;
	_ =	strace $0x80000046;
	[dreg:$0x1] =	wrdreg $0xFFFFFFFF  }
0xa8: {  	s28 =	simm.s32 $_size_execute0_lowered;
	s4 =	sadd.s32 s4, s6;
	[dreg:$0x0] =	wrdreg $0x0  }
0xa9: {  	s6 =	sshll.u32 s28, $0x1;
	[dreg:$0x2] =	wrdreg s4  }
0xaa: {  	[dreg:$0x3] =	wrdreg s6  }
0xab: {  	[dreg:$0x4] =	wrdreg $0xC0  }
0xac: {  	_ =	task [dreg:s8], $0x5FFFF  }
0xad: {  	[dreg:$0x1] =	wrdreg $0xFFFFFFFF  }
0xae: {  	[dreg:$0x0] =	wrdreg $0x60  }
0xaf: {  	[dreg:$0x2] =	wrdreg s2  }
0xb0: {  	[dreg:$0x3] =	wrdreg s18  }
0xb1: {  	[dreg:$0x4] =	wrdreg s24  }
0xb2: {  	[dreg:$0x5] =	wrdreg $0x9  }
0xb3: {  	_ =	task.clear_ibuf [dreg:s8], $0x6FFFF;
	_ =	strace $0x90000046  }
0xb4: {  	s29 =	simm.s32 $0x9;
	_ =	strace $0x80000048  }
0xb5: {  	_ =	swait.ge [sflag:s29], $0x1  }
0xb6: {  	[sflag:s29] =	ssyncadd.s32 $0xFFFFFFFF  }
0xb7: {  	_ =	strace $0x90000048  }
0xb8: {  	_ =	sfence  }
0xb9: {  	s30 =	sld [smem:$0x0];
	_ =	sdelay $0x2  }
0xba: {  	s31 =	sshll.u32 s1, $0xD;
	s1 =	sshrl.u32 s1, $0x2  }
0xbb: {  	s3 =	sand.u32 $0x4000, s31;
	s1 =	sadd.s32 s1, s30  }
0xbc: {  	s0 =	sor.u32 s3, s0;
	s1 =	sshll.u32 s1, $0x11  }
0xbd: {  	s0 =	sor.u32 s1, s0  }
0xbe: {  	s0 =	sadd.s32 $0x8F2B, s0  }
0xbf: {  	[sflag:s0] =	ssyncadd.remote.s32 $0x1  }
0xc0: {  	_ =	sfence.sel $0xFFFF  }
0xc1: {  	[dreg:$0x0] =	wrdreg $0xFFFFFFFF;
	(pc) =	sbr.abs _section_cstart, $3  }
0xc2: {  	[dreg:$0x1] =	wrdreg $0xFFFFFFFF  }
0xc3: {  	_ =	task.clear_ibuf [dreg:s8], $0x2FFFF;
	_ =	strace $0x9FFFFFFF  }
0xc4: {  	(tm) =	ssettm $0x7FFFFFFF  }
0xc5: {  	_ =	shalt  }
tec
execute0_lowered:
.L_overlay_start_1:
0x0: {  	(tag) =	ssettag $0x1  }
0x1: {  	s2 =	srdreg.scid  }
0x2: {  	s0 =	stileid.u32;
	s1 =	rddreg [dreg:$0x0]  }
0x3: {  	v0 =	vlaneseq.u32;
	s5 =	rddreg [dreg:$0x2];
	s7 =	simm.s32 $0x2;
	s8 =	simm.s32 $0x80  }
0x4: {  	s9 =	simm.s32 $0x14920;
	v10 =	vimm.s32 $0x0;
	s3 =	sand.u32 $0x1, s2;
	s4 =	sshll.u32 s0, $0x1;
	v3 =	vor.u32 $0x10, v0  }
.Ltmp0:
0x5: {  	s11 =	simm.s32 $0x4000;
	v4 =	vor.u32 $0x20, v0;
	v5 =	vor.u32 $0x30, v0;
	v6 =	vor.u32 $0x40, v0;
	s4 =	sor.u32 s3, s4;
	(pc) =	sbr.rel .LBB2_1-.Ltmp0, $4  }
0x6: {  	s2 =	rddreg [dreg:$0x1];
	v7 =	vor.u32 $0x50, v0;
	v8 =	vor.u32 $0x60, v0;
	v9 =	vor.u32 $0x70, v0;
	s6 =	ssub.s32 $0x2, s3;
	s10 =	sshll.u32 s4, $0x7  }
0x7: {  	s12 =	simm.s32 $0x0;
	s3 =	rddreg [dreg:$0x3];
	v1 =	vmov s4;
	s31 =	sshrl.u32 s6, $0x1;
	v2 =	vor.u32 s10, v0;
	v3 =	vor.u32 s10, v3  }
0x8: {  	_ =	strace $0x80000047;
	s4 =	sadd.s32 $0x400, s5;
	s6 =	ssub.s32 s6, s31;
	v4 =	vor.u32 s10, v4;
	v5 =	vor.u32 s10, v5;
	v6 =	vor.u32 s10, v6  }
0x9: {  	v7 =	vor.u32 s10, v7;
	v8 =	vor.u32 s10, v8;
	v9 =	vor.u32 s10, v9;
	s10 =	simm.s32 $0x1;
	s5 =	smax.u32 s6, $0x1;
	s6 =	simm.s32 $0x0  }
.LBB2_46:
0xa: {  	[sflag:s10] =	ssyncadd.s32 $0xFFFFE000  }
.LBB2_47:
0xb: {  	s12 =	sadd.s32 $0x1, s12  }
0xc: {  	p0 =	sne.s32 s12, s5  }
.Ltmp1:
0xd: {  	_ = 	snop;
	(pc) =	sbr.rel @!p0 .LBB2_48-.Ltmp1, $1  }
0xe: {  	_ =	sdelay $0x3  }
.LBB2_1:
0xf: {  	[tilespmem:s6], [sflag:$0x2] =	stream.linear.gather [hbm4b:s1+s6], $0x4000, $0x38;
	[tilespmem:$0x16920] =	vst v63  }
0x10: {  	_ =	swait.ge [sflag:s7], $0x4000  }
0x11: {  	[sflag:s7] =	ssyncset.done $0x0  }
0x12: {  	s20 =	simm.s32 $0x20;
	[sflag:s7] =	ssyncadd.s32 $0xFFFFC000  }
0x13: {  	v11 =	vld [tilespmem:s20+$0xFFFFFFE0];
	_ =	sdelay $0x4  }
0x14: {  	s22 =	simm.s32 $0x60;
	v11 =	vshrl.u32 v11, $0xF  }
0x15: {  	v12 =	vld [tilespmem:s22+$0xFFFFFFE0];
	vm0 =	veq.s32 v11, v1  }
0x16: {  	v11 =	vmpcnt.ones.xlane vm0  }
0x17: {  	s14 =	simm.s32 $0x14102  }
0x18: {  	[tilespmem:s14+$0xFFFFFFFE] =	vst.msk $0x1, v11  }
0x19: {  	s16 =	simm.s32 $0xA0;
	v11 =	vld [tilespmem:s20+$0xFFFFFFF0]  }
0x1a: {  	v13 =	vld [tilespmem:s16+$0xFFFFFFE0];
	v12 =	vshrl.u32 v12, $0xF  }
0x1b: {  	vm0 =	veq.s32 v12, v1  }
0x1c: {  	v12 =	vmpcnt.ones.xlane vm0  }
0x1d: {  	s13 =	simm.s32 $0x14106  }
0x1e: {  	[tilespmem:s13+$0xFFFFFFFE] =	vst.msk $0x1, v12;
	v11 =	vshrl.u32 v11, $0xF  }
0x1f: {  	s17 =	simm.s32 $0xE0;
	v12 =	vld [tilespmem:s22+$0xFFFFFFF0];
	vm0 =	veq.s32 v11, v1;
	v11 =	vshrl.u32 v13, $0xF  }
0x20: {  	v13 =	vld [tilespmem:s17+$0xFFFFFFE0];
	v14 =	vmpcnt.ones.xlane vm0;
	vm0 =	veq.s32 v11, v1  }
0x21: {  	v11 =	vmpcnt.ones.xlane vm0  }
0x22: {  	s15 =	simm.s32 $0x1410A;
	[tilespmem:s14+$0xFFFFFFFF] =	vst.msk $0x1, v14  }
0x23: {  	v14 =	vld [tilespmem:s20+$0x0];
	[tilespmem:s15+$0xFFFFFFFE] =	vst.msk $0x1, v11  }
0x24: {  	v11 =	vshrl.u32 v12, $0xF;
	v12 =	vld [tilespmem:s16+$0xFFFFFFF0]  }
0x25: {  	vm0 =	veq.s32 v11, v1;
	v11 =	vshrl.u32 v13, $0xF  }
0x26: {  	s19 =	simm.s32 $0x120;
	v13 =	vmpcnt.ones.xlane vm0;
	vm0 =	veq.s32 v11, v1  }
0x27: {  	v11 =	vld [tilespmem:s19+$0xFFFFFFE0];
	v15 =	vmpcnt.ones.xlane vm0  }
0x28: {  	s18 =	simm.s32 $0x1410E;
	[tilespmem:s13+$0xFFFFFFFF] =	vst.msk $0x1, v13;
	v13 =	vshrl.u32 v14, $0xF  }
0x29: {  	v14 =	vld [tilespmem:s22+$0x0];
	[tilespmem:s18+$0xFFFFFFFE] =	vst.msk $0x1, v15;
	vm0 =	veq.s32 v13, v1;
	v12 =	vshrl.u32 v12, $0xF  }
0x2a: {  	v15 =	vld [tilespmem:s17+$0xFFFFFFF0];
	v13 =	vmpcnt.ones.xlane vm0;
	vm0 =	veq.s32 v12, v1  }
0x2b: {  	s21 =	simm.s32 $0x160;
	v12 =	vmpcnt.ones.xlane vm0  }
0x2c: {  	v16 =	vld [tilespmem:s21+$0xFFFFFFE0];
	v11 =	vshrl.u32 v11, $0xF;
	[tilespmem:s14+$0x0] =	vst.msk $0x1, v13  }
0x2d: {  	vm0 =	veq.s32 v11, v1;
	v11 =	vld [tilespmem:s20+$0x10];
	[tilespmem:s15+$0xFFFFFFFF] =	vst.msk $0x1, v12  }
0x2e: {  	v12 =	vmpcnt.ones.xlane vm0;
	v13 =	vshrl.u32 v14, $0xF;
	v14 =	vld [tilespmem:s16+$0x0]  }
0x2f: {  	s20 =	simm.s32 $0x14112;
	vm0 =	veq.s32 v13, v1;
	v13 =	vshrl.u32 v15, $0xF  }
0x30: {  	[tilespmem:s20+$0xFFFFFFFE] =	vst.msk $0x1, v12;
	v12 =	vmpcnt.ones.xlane vm0;
	vm0 =	veq.s32 v13, v1  }
0x31: {  	s24 =	simm.s32 $0x1A0;
	v13 =	vld [tilespmem:s19+$0xFFFFFFF0];
	v17 =	vmpcnt.ones.xlane vm0  }
0x32: {  	v16 =	vshrl.u32 v16, $0xF;
	v15 =	vld [tilespmem:s24+$0xFFFFFFE0];
	[tilespmem:s13+$0x0] =	vst.msk $0x1, v12;
	v12 =	vshrl.u32 v11, $0xF  }
0x33: {  	vm0 =	veq.s32 v16, v1;
	v11 =	vld [tilespmem:s22+$0x10];
	[tilespmem:s18+$0xFFFFFFFF] =	vst.msk $0x1, v17;
	vm1 =	veq.s32 v12, v1;
	v17 =	vshrl.u32 v14, $0xF  }
0x34: {  	s25 =	simm.s32 $0x18;
	s23 =	simm.s32 $0x1A0;
	v16 =	vmpcnt.ones.xlane vm0;
	s22 =	simm.s32 $0x14116;
	v14 =	vld [tilespmem:s17+$0x0];
	v12 =	vmpcnt.ones.xlane vm1;
	vm0 =	veq.s32 v17, v1  }
.LBB2_2:
0x35: {  	s25 =	sadd.s32 $0x4, s25  }
0x36: {  	[tilespmem:s22+$0xFFFFFFFE] =	vst.msk $0x1, v16;
	v16 =	vshrl.u32 v13, $0xF;
	v17 =	vmpcnt.ones.xlane vm0;
	p0 =	slt.u32 s25, $0x3FC  }
.Ltmp2:
0x37: {  	s24 =	sadd.s32 $0x40, s24;
	v13 =	vld [tilespmem:s21+$0xFFFFFFF0];
	vm0 =	veq.s32 v16, v1;
	[tilespmem:s14+$0x1] =	vst.msk $0x1, v12;
	(pc) =	sbr.rel @p0 .LBB2_2-.Ltmp2, $4  }
0x38: {  	v12 =	vshrl.u32 v15, $0xF;
	s14 =	smov.u32 s13;
	s13 =	smov.u32 s15;
	v15 =	vld [tilespmem:s24+$0xFFFFFFE0];
	v18 =	vmpcnt.ones.xlane vm0;
	[tilespmem:s15+$0x0] =	vst.msk $0x1, v17;
	v16 =	vshrl.u32 v11, $0xF;
	s15 =	smov.u32 s18  }
0x39: {  	vm0 =	veq.s32 v12, v1;
	v11 =	vld [tilespmem:s16+$0x10];
	vm1 =	veq.s32 v16, v1;
	s16 =	smov.u32 s17;
	s17 =	smov.u32 s19;
	s19 =	smov.u32 s21  }
0x3a: {  	s18 =	smov.u32 s20;
	v16 =	vmpcnt.ones.xlane vm0;
	s21 =	smov.u32 s23;
	s23 =	smov.u32 s24;
	[tilespmem:s20+$0xFFFFFFFF] =	vst.msk $0x1, v18;
	v17 =	vshrl.u32 v14, $0xF;
	v12 =	vmpcnt.ones.xlane vm1  }
0x3b: {  	s20 =	smov.u32 s22;
	s22 =	sadd.s32 $0x4, s22;
	v14 =	vld [tilespmem:s17+$0x0];
	vm0 =	veq.s32 v17, v1  }
0x3c: {  	_ = 	snop  }
0x3d: {  	v15 =	vshrl.u32 v15, $0xF  }
0x3e: {  	vm1 =	veq.s32 v15, v1  }
0x3f: {  	v15 =	vmpcnt.ones.xlane vm1  }
0x40: {  	[tilespmem:s22+$0xFFFFFFFE] =	vst.msk $0x1, v16;
	s24 =	sadd.s32 $0x4, s22  }
0x41: {  	v16 =	vld [tilespmem:s21+$0xFFFFFFF0];
	[tilespmem:s24+$0xFFFFFFFE] =	vst.msk $0x1, v15  }
0x42: {  	v15 =	vld [tilespmem:s23+$0xFFFFFFF0];
	_ =	sdelay $0x2  }
0x43: {  	v13 =	vshrl.u32 v13, $0xF  }
0x44: {  	vm15 =	veq.s32 v13, v1;
	v13 =	vshrl.u32 v16, $0xF  }
0x45: {  	v16 =	vmpcnt.ones.xlane vm15;
	vm4 =	veq.s32 v13, v1;
	v13 =	vshrl.u32 v15, $0xF  }
0x46: {  	v15 =	vmpcnt.ones.xlane vm4;
	vm5 =	veq.s32 v13, v1  }
0x47: {  	[tilespmem:s20+$0xFFFFFFFF] =	vst.msk $0x1, v16;
	v13 =	vmpcnt.ones.xlane vm5  }
0x48: {  	v16 =	vld [tilespmem:s19+$0x0];
	[tilespmem:s22+$0xFFFFFFFF] =	vst.msk $0x1, v15  }
0x49: {  	v15 =	vld [tilespmem:s21+$0x0];
	[tilespmem:s24+$0xFFFFFFFF] =	vst.msk $0x1, v13  }
0x4a: {  	v13 =	vld [tilespmem:s23+$0x0];
	_ =	sdelay $0x1  }
0x4b: {  	v14 =	vshrl.u32 v14, $0xF  }
0x4c: {  	v17 =	vmpcnt.ones.xlane vm0;
	vm6 =	veq.s32 v14, v1;
	v14 =	vshrl.u32 v16, $0xF  }
0x4d: {  	v16 =	vmpcnt.ones.xlane vm6;
	vm7 =	veq.s32 v14, v1;
	v14 =	vshrl.u32 v15, $0xF  }
0x4e: {  	[tilespmem:s15+$0x0] =	vst.msk $0x1, v17;
	v15 =	vmpcnt.ones.xlane vm7;
	vm8 =	veq.s32 v14, v1;
	v13 =	vshrl.u32 v13, $0xF  }
0x4f: {  	[tilespmem:s18+$0x0] =	vst.msk $0x1, v16;
	v14 =	vld [tilespmem:s16+$0x10];
	v16 =	vmpcnt.ones.xlane vm8;
	vm9 =	veq.s32 v13, v1  }
0x50: {  	[tilespmem:s20+$0x0] =	vst.msk $0x1, v15;
	v13 =	vld [tilespmem:s17+$0x10];
	v15 =	vmpcnt.ones.xlane vm9  }
0x51: {  	v17 =	vld [tilespmem:s19+$0x10];
	[tilespmem:s22+$0x0] =	vst.msk $0x1, v16  }
0x52: {  	v16 =	vld [tilespmem:s21+$0x10];
	[tilespmem:s24+$0x0] =	vst.msk $0x1, v15  }
0x53: {  	v11 =	vshrl.u32 v11, $0xF;
	v15 =	vld [tilespmem:s23+$0x10]  }
0x54: {  	vm10 =	veq.s32 v11, v1;
	v11 =	vshrl.u32 v14, $0xF  }
0x55: {  	v14 =	vmpcnt.ones.xlane vm10;
	vm11 =	veq.s32 v11, v1;
	v11 =	vshrl.u32 v13, $0xF  }
0x56: {  	[tilespmem:s14+$0x1] =	vst.msk $0x1, v12;
	v12 =	vmpcnt.ones.xlane vm11;
	vm12 =	veq.s32 v11, v1;
	v11 =	vshrl.u32 v17, $0xF  }
0x57: {  	[tilespmem:s13+$0x1] =	vst.msk $0x1, v14;
	v13 =	vmpcnt.ones.xlane vm12;
	vm13 =	veq.s32 v11, v1;
	v11 =	vshrl.u32 v16, $0xF  }
0x58: {  	[tilespmem:s15+$0x1] =	vst.msk $0x1, v12;
	v12 =	vmpcnt.ones.xlane vm13;
	vm14 =	veq.s32 v11, v1;
	v11 =	vshrl.u32 v15, $0xF  }
0x59: {  	[tilespmem:s18+$0x1] =	vst.msk $0x1, v13;
	v13 =	vmpcnt.ones.xlane vm14;
	vm15 =	veq.s32 v11, v1  }
0x5a: {  	[tilespmem:s20+$0x1] =	vst.msk $0x1, v12;
	v11 =	vmpcnt.ones.xlane vm15  }
0x5b: {  	[tilespmem:s22+$0x1] =	vst.msk $0x1, v13  }
0x5c: {  	s16 =	simm.s32 $0x0;
	[tilespmem:s24+$0x1] =	vst.msk $0x1, v11  }
0x5d: {  	s13 =	simm.s32 $0x10;
	v12 =	vld [tilespmem:s16+$0x14100]  }
0x5e: {  	v11 =	vld [tilespmem:s13+$0x14100];
	_ =	sdelay $0x3  }
0x5f: {  	(xrf0) =	vadd.scan.msk.s32 $0xffff, v12  }
0x60: {  	(xrf0) =	vadd.scan.msk.s32 $0xffff, v11;
	_ =	sdelay $0x4  }
0x61: {  	s15 =	simm.s32 $0x20;
	v16, _, _ =	vpop (xrf0)  }
0x62: {  	v14 =	vld [tilespmem:s15+$0x14100];
	(v2sf) =	vpush v16, $0xF;
	v15, _, _ =	vpop (xrf0)  }
0x63: {  	(v2sf) =	vpush v15, $0xF;
	_ =	sdelay $0x3  }
0x64: {  	s17 =	simm.s32 $0x30;
	(xrf0) =	vadd.scan.msk.s32 $0xffff, v14  }
0x65: {  	v13 =	vld [tilespmem:s17+$0x14100];
	_ =	sdelay $0x3  }
0x66: {  	s14 =	simm.s32 $0x0;
	s19 =	simm.s32 $0x100;
	s18 =	simm.s32 $0x0  }
.LBB2_4:
0x67: {  	s20 =	sshra.s32 s19, $0x2;
	p0 =	sne.s32 s19, $0xFC0;
	s19 =	sadd.s32 $0x40, s19;
	(xrf0) =	vadd.scan.msk.s32 $0xffff, v13;
	v17, _, _ =	vpop (xrf0);
	v18 =	vsub.s32 s18, v12;
	v12 =	vmov v11;
	v11 =	vmov v14  }
.Ltmp3:
0x68: {  	v14 =	vmovc v13;
	(v2sf) =	vpush v17, $0xF;
	v18 =	vadd.s32 v16, v18;
	v16 =	vmovc v15;
	v15 =	vmov v17;
	v13 =	vld [tilespmem:s20+$0x14100];
	(pc) =	sbr.rel @p0 .LBB2_4-.Ltmp3, $4  }
0x69: {  	[tilespmem:s16+$0x14510] =	vst v18;
	s16 =	smov.u32 s13;
	s13 =	smov.u32 s15;
	s15 =	smov.u32 s17  }
0x6a: {  	s17 =	smov.u32 s20  }
0x6b: {  	s20 =	spop (v2sf)  }
0x6c: {  	s18 =	sadd.s32 s18, s20  }
0x6d: {  	(xrf0) =	vadd.scan.msk.s32 $0xffff, v13;
	_ =	sdelay $0x2  }
0x6e: {  	v17, _, _ =	vpop (xrf0)  }
0x6f: {  	(v2sf) =	vpush v17, $0xF;
	_ =	sdelay $0x1  }
0x70: {  	v18, _, _ =	vpop (xrf0)  }
0x71: {  	(v2sf) =	vpush v18, $0xF;
	_ =	sdelay $0x9  }
0x72: {  	s19 =	spop (v2sf)  }
0x73: {  	v12 =	vsub.s32 s18, v12;
	s26 =	sadd.s32 s18, s19;
	s28 =	spop (v2sf)  }
.Ltmp4:
0x74: {  	v12 =	vadd.s32 v16, v12;
	v11 =	vsub.s32 s26, v11;
	s18 =	sadd.s32 s26, s28;
	s29 =	spop (v2sf);
	(pc) =	sbr.rel .LBB2_6-.Ltmp4, $4  }
0x75: {  	[tilespmem:s16+$0x14510] =	vst v12;
	v11 =	vadd.s32 v15, v11;
	v62 =	vsub.s32 s18, v14;
	s30 =	sadd.s32 s18, s29  }
0x76: {  	[tilespmem:s13+$0x14510] =	vst v11;
	v11 =	vadd.s32 v17, v62;
	v63 =	vsub.s32 s30, v13  }
0x77: {  	[tilespmem:s15+$0x14510] =	vst v11;
	v11 =	vadd.s32 v18, v63;
	s31 =	spop (v2sf)  }
0x78: {  	[tilespmem:s17+$0x14510] =	vst v11;
	s13 =	sadd.s32 s30, s31  }
.LBB2_38:
0x79: {  	s14 =	sadd.s32 $0x1, s14  }
0x7a: {  	p0 =	sne.s32 s14, $0x40  }
.Ltmp5:
0x7b: {  	_ = 	snop;
	(pc) =	sbr.rel @!p0 .LBB2_39-.Ltmp5, $1  }
0x7c: {  	_ =	sdelay $0x3  }
.LBB2_6:
0x7d: {  	s15 =	sshll.u32 s14, $0x4  }
0x7e: {  	v12 =	vld [tilespmem:s15+$0x14100];
	_ =	sdelay $0x4  }
0x7f: {  	(v2sf) =	vpush v12, $0x0;
	_ =	sdelay $0xb  }
0x80: {  	v11 =	vld [tilespmem:s15+$0x14510];
	_ =	sdelay $0x2  }
0x81: {  	s15 =	spop (v2sf)  }
0x82: {  	p0 =	slt.s32 s15, $0x1  }
0x83: {  	(v2sf) =	vpush @!p0 v11, $0x0;
	_ =	sdelay $0x1  }
0x84: {  	s16 =	sshll.u32 @!p0 s14, $0x8  }
0x85: {  	v14 =	vld @!p0 [tilespmem:s16+$0x0];
	_ =	sdelay $0x4  }
0x86: {  	v13 =	vshrl.u32 @!p0 v14, $0xF  }
0x87: {  	vm0 =	veq.s32 @!p0 v13, v1  }
0x88: {  	v14 =	vand.u32 @!p0 $0x7FFF, v14  }
0x89: {  	p1 =	seq.s32 @!p0 s15, $0x1  }
0x8a: {  	p1 =	por p0, p1  }
.Ltmp6:
0x8b: {  	v15 =	vlaneseq.u32 @!p0;
	(pc) =	sbr.rel @p1 .LBB2_8-.Ltmp6, $4  }
0x8c: {  	v15 =	vor.u32 @!p0 s16, v15;
	s16 =	simm.s32 @!p0 $0x4000  }
0x8d: {  	[tilespmem:v14+s16+$0x0] =	vst.idx.msk @!p0 vm0, v15;
	s17 =	spop @!p0 (v2sf)  }
0x8e: {  	[tilespmem:s17+$0xC000] =	vst.msk @!p0 vm0, v15  }
0x8f: {  	[tilespmem:s17+$0x10080] =	vst.msk @!p0 vm0, v14  }
.LBB2_7:
0x90: {  	vm0 =	veq.s32 v13, v1;
	_ =	sdelay $0x5  }
0x91: {  	v16 =	vld.idx.msk [tilespmem:v14+s11+$0x0], vm0;
	_ =	sdelay $0x4  }
0x92: {  	vm1 =	vgt.s32 v15, v16  }
0x93: {  	vm0 =	vmand vm0, vm1  }
0x94: {  	v16 =	vmpcnt.ones.xlane vm0;
	_ =	sdelay $0x1  }
0x95: {  	(v2sf) =	vpush v16, $0x0;
	_ =	sdelay $0xe  }
0x96: {  	s15 =	spop (v2sf)  }
0x97: {  	p0 =	sgt.s32 s15, $0x0  }
.Ltmp7:
0x98: {  	_ = 	snop;
	(pc) =	sbr.rel @p0 .LBB2_7-.Ltmp7, $2  }
0x99: {  	_ =	sdelay $0x2  }
0x9a: {  	[tilespmem:v14+s11+$0x0] =	vst.idx.msk vm0, v15  }
.LBB2_8:
0x9b: {  	(v2sf) =	vpush v12, $0x1;
	_ =	sdelay $0xe  }
0x9c: {  	s15 =	spop (v2sf)  }
0x9d: {  	p0 =	slt.s32 s15, $0x1  }
0x9e: {  	(v2sf) =	vpush @!p0 v11, $0x1;
	_ =	sdelay $0x1  }
0x9f: {  	s16 =	sshll.u32 @!p0 s14, $0x8  }
0xa0: {  	v14 =	vld @!p0 [tilespmem:s16+$0x10];
	_ =	sdelay $0x4  }
0xa1: {  	v13 =	vshrl.u32 @!p0 v14, $0xF  }
0xa2: {  	vm0 =	veq.s32 @!p0 v13, v1  }
0xa3: {  	v14 =	vand.u32 @!p0 $0x7FFF, v14  }
0xa4: {  	p1 =	seq.s32 @!p0 s15, $0x1  }
0xa5: {  	p1 =	por p0, p1  }
.Ltmp8:
0xa6: {  	v15 =	vlaneseq.u32 @!p0;
	s16 =	sor.u32 @!p0 $0x10, s16;
	(pc) =	sbr.rel @p1 .LBB2_10-.Ltmp8, $4  }
0xa7: {  	v15 =	vor.u32 @!p0 s16, v15;
	s16 =	simm.s32 @!p0 $0x4000  }
0xa8: {  	[tilespmem:v14+s16+$0x0] =	vst.idx.msk @!p0 vm0, v15;
	s17 =	spop @!p0 (v2sf)  }
0xa9: {  	[tilespmem:s17+$0xC000] =	vst.msk @!p0 vm0, v15  }
0xaa: {  	[tilespmem:s17+$0x10080] =	vst.msk @!p0 vm0, v14  }
.LBB2_9:
0xab: {  	vm0 =	veq.s32 v13, v1;
	_ =	sdelay $0x5  }
0xac: {  	v16 =	vld.idx.msk [tilespmem:v14+s11+$0x0], vm0;
	_ =	sdelay $0x4  }
0xad: {  	vm1 =	vgt.s32 v15, v16  }
0xae: {  	vm0 =	vmand vm0, vm1  }
0xaf: {  	v16 =	vmpcnt.ones.xlane vm0;
	_ =	sdelay $0x1  }
0xb0: {  	(v2sf) =	vpush v16, $0x0;
	_ =	sdelay $0xe  }
0xb1: {  	s15 =	spop (v2sf)  }
0xb2: {  	p0 =	sgt.s32 s15, $0x0  }
.Ltmp9:
0xb3: {  	_ = 	snop;
	(pc) =	sbr.rel @p0 .LBB2_9-.Ltmp9, $2  }
0xb4: {  	_ =	sdelay $0x2  }
0xb5: {  	[tilespmem:v14+s11+$0x0] =	vst.idx.msk vm0, v15  }
.LBB2_10:
0xb6: {  	(v2sf) =	vpush v12, $0x2;
	_ =	sdelay $0xe  }
0xb7: {  	s15 =	spop (v2sf)  }
0xb8: {  	p0 =	slt.s32 s15, $0x1  }
0xb9: {  	(v2sf) =	vpush @!p0 v11, $0x2;
	_ =	sdelay $0x1  }
0xba: {  	s16 =	sshll.u32 @!p0 s14, $0x8  }
0xbb: {  	v14 =	vld @!p0 [tilespmem:s16+$0x20];
	_ =	sdelay $0x4  }
0xbc: {  	v13 =	vshrl.u32 @!p0 v14, $0xF  }
0xbd: {  	vm0 =	veq.s32 @!p0 v13, v1  }
0xbe: {  	v14 =	vand.u32 @!p0 $0x7FFF, v14  }
0xbf: {  	p1 =	seq.s32 @!p0 s15, $0x1  }
0xc0: {  	p1 =	por p0, p1  }
.Ltmp10:
0xc1: {  	v15 =	vlaneseq.u32 @!p0;
	s16 =	sor.u32 @!p0 $0x20, s16;
	(pc) =	sbr.rel @p1 .LBB2_12-.Ltmp10, $4  }
0xc2: {  	v15 =	vor.u32 @!p0 s16, v15;
	s16 =	simm.s32 @!p0 $0x4000  }
0xc3: {  	[tilespmem:v14+s16+$0x0] =	vst.idx.msk @!p0 vm0, v15;
	s17 =	spop @!p0 (v2sf)  }
0xc4: {  	[tilespmem:s17+$0xC000] =	vst.msk @!p0 vm0, v15  }
0xc5: {  	[tilespmem:s17+$0x10080] =	vst.msk @!p0 vm0, v14  }
.LBB2_11:
0xc6: {  	vm0 =	veq.s32 v13, v1;
	_ =	sdelay $0x5  }
0xc7: {  	v16 =	vld.idx.msk [tilespmem:v14+s11+$0x0], vm0;
	_ =	sdelay $0x4  }
0xc8: {  	vm1 =	vgt.s32 v15, v16  }
0xc9: {  	vm0 =	vmand vm0, vm1  }
0xca: {  	v16 =	vmpcnt.ones.xlane vm0;
	_ =	sdelay $0x1  }
0xcb: {  	(v2sf) =	vpush v16, $0x0;
	_ =	sdelay $0xe  }
0xcc: {  	s15 =	spop (v2sf)  }
0xcd: {  	p0 =	sgt.s32 s15, $0x0  }
.Ltmp11:
0xce: {  	_ = 	snop;
	(pc) =	sbr.rel @p0 .LBB2_11-.Ltmp11, $2  }
0xcf: {  	_ =	sdelay $0x2  }
0xd0: {  	[tilespmem:v14+s11+$0x0] =	vst.idx.msk vm0, v15  }
.LBB2_12:
0xd1: {  	(v2sf) =	vpush v12, $0x3;
	_ =	sdelay $0xe  }
0xd2: {  	s15 =	spop (v2sf)  }
0xd3: {  	p0 =	slt.s32 s15, $0x1  }
0xd4: {  	(v2sf) =	vpush @!p0 v11, $0x3;
	_ =	sdelay $0x1  }
0xd5: {  	s16 =	sshll.u32 @!p0 s14, $0x8  }
0xd6: {  	v14 =	vld @!p0 [tilespmem:s16+$0x30];
	_ =	sdelay $0x4  }
0xd7: {  	v13 =	vshrl.u32 @!p0 v14, $0xF  }
0xd8: {  	vm0 =	veq.s32 @!p0 v13, v1  }
0xd9: {  	v14 =	vand.u32 @!p0 $0x7FFF, v14  }
0xda: {  	p1 =	seq.s32 @!p0 s15, $0x1  }
0xdb: {  	p1 =	por p0, p1  }
.Ltmp12:
0xdc: {  	v15 =	vlaneseq.u32 @!p0;
	s16 =	sor.u32 @!p0 $0x30, s16;
	(pc) =	sbr.rel @p1 .LBB2_14-.Ltmp12, $4  }
0xdd: {  	v15 =	vor.u32 @!p0 s16, v15;
	s16 =	simm.s32 @!p0 $0x4000  }
0xde: {  	[tilespmem:v14+s16+$0x0] =	vst.idx.msk @!p0 vm0, v15;
	s17 =	spop @!p0 (v2sf)  }
0xdf: {  	[tilespmem:s17+$0xC000] =	vst.msk @!p0 vm0, v15  }
0xe0: {  	[tilespmem:s17+$0x10080] =	vst.msk @!p0 vm0, v14  }
.LBB2_13:
0xe1: {  	vm0 =	veq.s32 v13, v1;
	_ =	sdelay $0x5  }
0xe2: {  	v16 =	vld.idx.msk [tilespmem:v14+s11+$0x0], vm0;
	_ =	sdelay $0x4  }
0xe3: {  	vm1 =	vgt.s32 v15, v16  }
0xe4: {  	vm0 =	vmand vm0, vm1  }
0xe5: {  	v16 =	vmpcnt.ones.xlane vm0;
	_ =	sdelay $0x1  }
0xe6: {  	(v2sf) =	vpush v16, $0x0;
	_ =	sdelay $0xe  }
0xe7: {  	s15 =	spop (v2sf)  }
0xe8: {  	p0 =	sgt.s32 s15, $0x0  }
.Ltmp13:
0xe9: {  	_ = 	snop;
	(pc) =	sbr.rel @p0 .LBB2_13-.Ltmp13, $2  }
0xea: {  	_ =	sdelay $0x2  }
0xeb: {  	[tilespmem:v14+s11+$0x0] =	vst.idx.msk vm0, v15  }
.LBB2_14:
0xec: {  	(v2sf) =	vpush v12, $0x4;
	_ =	sdelay $0xe  }
0xed: {  	s15 =	spop (v2sf)  }
0xee: {  	p0 =	slt.s32 s15, $0x1  }
0xef: {  	(v2sf) =	vpush @!p0 v11, $0x4;
	_ =	sdelay $0x1  }
0xf0: {  	s16 =	sshll.u32 @!p0 s14, $0x8  }
0xf1: {  	v14 =	vld @!p0 [tilespmem:s16+$0x40];
	_ =	sdelay $0x4  }
0xf2: {  	v13 =	vshrl.u32 @!p0 v14, $0xF  }
0xf3: {  	vm0 =	veq.s32 @!p0 v13, v1  }
0xf4: {  	v14 =	vand.u32 @!p0 $0x7FFF, v14  }
0xf5: {  	p1 =	seq.s32 @!p0 s15, $0x1  }
0xf6: {  	p1 =	por p0, p1  }
.Ltmp14:
0xf7: {  	v15 =	vlaneseq.u32 @!p0;
	s16 =	sor.u32 @!p0 $0x40, s16;
	(pc) =	sbr.rel @p1 .LBB2_16-.Ltmp14, $4  }
0xf8: {  	v15 =	vor.u32 @!p0 s16, v15;
	s16 =	simm.s32 @!p0 $0x4000  }
0xf9: {  	[tilespmem:v14+s16+$0x0] =	vst.idx.msk @!p0 vm0, v15;
	s17 =	spop @!p0 (v2sf)  }
0xfa: {  	[tilespmem:s17+$0xC000] =	vst.msk @!p0 vm0, v15  }
0xfb: {  	[tilespmem:s17+$0x10080] =	vst.msk @!p0 vm0, v14  }
.LBB2_15:
0xfc: {  	vm0 =	veq.s32 v13, v1;
	_ =	sdelay $0x5  }
0xfd: {  	v16 =	vld.idx.msk [tilespmem:v14+s11+$0x0], vm0;
	_ =	sdelay $0x4  }
0xfe: {  	vm1 =	vgt.s32 v15, v16  }
0xff: {  	vm0 =	vmand vm0, vm1  }
0x100: {  	v16 =	vmpcnt.ones.xlane vm0;
	_ =	sdelay $0x1  }
0x101: {  	(v2sf) =	vpush v16, $0x0;
	_ =	sdelay $0xe  }
0x102: {  	s15 =	spop (v2sf)  }
0x103: {  	p0 =	sgt.s32 s15, $0x0  }
.Ltmp15:
0x104: {  	_ = 	snop;
	(pc) =	sbr.rel @p0 .LBB2_15-.Ltmp15, $2  }
0x105: {  	_ =	sdelay $0x2  }
0x106: {  	[tilespmem:v14+s11+$0x0] =	vst.idx.msk vm0, v15  }
.LBB2_16:
0x107: {  	(v2sf) =	vpush v12, $0x5;
	_ =	sdelay $0xe  }
0x108: {  	s15 =	spop (v2sf)  }
0x109: {  	p0 =	slt.s32 s15, $0x1  }
0x10a: {  	(v2sf) =	vpush @!p0 v11, $0x5;
	_ =	sdelay $0x1  }
0x10b: {  	s16 =	sshll.u32 @!p0 s14, $0x8  }
0x10c: {  	v14 =	vld @!p0 [tilespmem:s16+$0x50];
	_ =	sdelay $0x4  }
0x10d: {  	v13 =	vshrl.u32 @!p0 v14, $0xF  }
0x10e: {  	vm0 =	veq.s32 @!p0 v13, v1  }
0x10f: {  	v14 =	vand.u32 @!p0 $0x7FFF, v14  }
0x110: {  	p1 =	seq.s32 @!p0 s15, $0x1  }
0x111: {  	p1 =	por p0, p1  }
.Ltmp16:
0x112: {  	v15 =	vlaneseq.u32 @!p0;
	s16 =	sor.u32 @!p0 $0x50, s16;
	(pc) =	sbr.rel @p1 .LBB2_18-.Ltmp16, $4  }
0x113: {  	v15 =	vor.u32 @!p0 s16, v15;
	s16 =	simm.s32 @!p0 $0x4000  }
0x114: {  	[tilespmem:v14+s16+$0x0] =	vst.idx.msk @!p0 vm0, v15;
	s17 =	spop @!p0 (v2sf)  }
0x115: {  	[tilespmem:s17+$0xC000] =	vst.msk @!p0 vm0, v15  }
0x116: {  	[tilespmem:s17+$0x10080] =	vst.msk @!p0 vm0, v14  }
.LBB2_17:
0x117: {  	vm0 =	veq.s32 v13, v1;
	_ =	sdelay $0x5  }
0x118: {  	v16 =	vld.idx.msk [tilespmem:v14+s11+$0x0], vm0;
	_ =	sdelay $0x4  }
0x119: {  	vm1 =	vgt.s32 v15, v16  }
0x11a: {  	vm0 =	vmand vm0, vm1  }
0x11b: {  	v16 =	vmpcnt.ones.xlane vm0;
	_ =	sdelay $0x1  }
0x11c: {  	(v2sf) =	vpush v16, $0x0;
	_ =	sdelay $0xe  }
0x11d: {  	s15 =	spop (v2sf)  }
0x11e: {  	p0 =	sgt.s32 s15, $0x0  }
.Ltmp17:
0x11f: {  	_ = 	snop;
	(pc) =	sbr.rel @p0 .LBB2_17-.Ltmp17, $2  }
0x120: {  	_ =	sdelay $0x2  }
0x121: {  	[tilespmem:v14+s11+$0x0] =	vst.idx.msk vm0, v15  }
.LBB2_18:
0x122: {  	(v2sf) =	vpush v12, $0x6;
	_ =	sdelay $0xe  }
0x123: {  	s15 =	spop (v2sf)  }
0x124: {  	p0 =	slt.s32 s15, $0x1  }
0x125: {  	(v2sf) =	vpush @!p0 v11, $0x6;
	_ =	sdelay $0x1  }
0x126: {  	s16 =	sshll.u32 @!p0 s14, $0x8  }
0x127: {  	v14 =	vld @!p0 [tilespmem:s16+$0x60];
	_ =	sdelay $0x4  }
0x128: {  	v13 =	vshrl.u32 @!p0 v14, $0xF  }
0x129: {  	vm0 =	veq.s32 @!p0 v13, v1  }
0x12a: {  	v14 =	vand.u32 @!p0 $0x7FFF, v14  }
0x12b: {  	p1 =	seq.s32 @!p0 s15, $0x1  }
0x12c: {  	p1 =	por p0, p1  }
.Ltmp18:
0x12d: {  	v15 =	vlaneseq.u32 @!p0;
	s16 =	sor.u32 @!p0 $0x60, s16;
	(pc) =	sbr.rel @p1 .LBB2_20-.Ltmp18, $4  }
0x12e: {  	v15 =	vor.u32 @!p0 s16, v15;
	s16 =	simm.s32 @!p0 $0x4000  }
0x12f: {  	[tilespmem:v14+s16+$0x0] =	vst.idx.msk @!p0 vm0, v15;
	s17 =	spop @!p0 (v2sf)  }
0x130: {  	[tilespmem:s17+$0xC000] =	vst.msk @!p0 vm0, v15  }
0x131: {  	[tilespmem:s17+$0x10080] =	vst.msk @!p0 vm0, v14  }
.LBB2_19:
0x132: {  	vm0 =	veq.s32 v13, v1;
	_ =	sdelay $0x5  }
0x133: {  	v16 =	vld.idx.msk [tilespmem:v14+s11+$0x0], vm0;
	_ =	sdelay $0x4  }
0x134: {  	vm1 =	vgt.s32 v15, v16  }
0x135: {  	vm0 =	vmand vm0, vm1  }
0x136: {  	v16 =	vmpcnt.ones.xlane vm0;
	_ =	sdelay $0x1  }
0x137: {  	(v2sf) =	vpush v16, $0x0;
	_ =	sdelay $0xe  }
0x138: {  	s15 =	spop (v2sf)  }
0x139: {  	p0 =	sgt.s32 s15, $0x0  }
.Ltmp19:
0x13a: {  	_ = 	snop;
	(pc) =	sbr.rel @p0 .LBB2_19-.Ltmp19, $2  }
0x13b: {  	_ =	sdelay $0x2  }
0x13c: {  	[tilespmem:v14+s11+$0x0] =	vst.idx.msk vm0, v15  }
.LBB2_20:
0x13d: {  	(v2sf) =	vpush v12, $0x7;
	_ =	sdelay $0xe  }
0x13e: {  	s15 =	spop (v2sf)  }
0x13f: {  	p0 =	slt.s32 s15, $0x1  }
0x140: {  	(v2sf) =	vpush @!p0 v11, $0x7;
	_ =	sdelay $0x1  }
0x141: {  	s16 =	sshll.u32 @!p0 s14, $0x8  }
0x142: {  	v14 =	vld @!p0 [tilespmem:s16+$0x70];
	_ =	sdelay $0x4  }
0x143: {  	v13 =	vshrl.u32 @!p0 v14, $0xF  }
0x144: {  	vm0 =	veq.s32 @!p0 v13, v1  }
0x145: {  	v14 =	vand.u32 @!p0 $0x7FFF, v14  }
0x146: {  	p1 =	seq.s32 @!p0 s15, $0x1  }
0x147: {  	p1 =	por p0, p1  }
.Ltmp20:
0x148: {  	v15 =	vlaneseq.u32 @!p0;
	s16 =	sor.u32 @!p0 $0x70, s16;
	(pc) =	sbr.rel @p1 .LBB2_22-.Ltmp20, $4  }
0x149: {  	v15 =	vor.u32 @!p0 s16, v15;
	s16 =	simm.s32 @!p0 $0x4000  }
0x14a: {  	[tilespmem:v14+s16+$0x0] =	vst.idx.msk @!p0 vm0, v15;
	s17 =	spop @!p0 (v2sf)  }
0x14b: {  	[tilespmem:s17+$0xC000] =	vst.msk @!p0 vm0, v15  }
0x14c: {  	[tilespmem:s17+$0x10080] =	vst.msk @!p0 vm0, v14  }
.LBB2_21:
0x14d: {  	vm0 =	veq.s32 v13, v1;
	_ =	sdelay $0x5  }
0x14e: {  	v16 =	vld.idx.msk [tilespmem:v14+s11+$0x0], vm0;
	_ =	sdelay $0x4  }
0x14f: {  	vm1 =	vgt.s32 v15, v16  }
0x150: {  	vm0 =	vmand vm0, vm1  }
0x151: {  	v16 =	vmpcnt.ones.xlane vm0;
	_ =	sdelay $0x1  }
0x152: {  	(v2sf) =	vpush v16, $0x0;
	_ =	sdelay $0xe  }
0x153: {  	s15 =	spop (v2sf)  }
0x154: {  	p0 =	sgt.s32 s15, $0x0  }
.Ltmp21:
0x155: {  	_ = 	snop;
	(pc) =	sbr.rel @p0 .LBB2_21-.Ltmp21, $2  }
0x156: {  	_ =	sdelay $0x2  }
0x157: {  	[tilespmem:v14+s11+$0x0] =	vst.idx.msk vm0, v15  }
.LBB2_22:
0x158: {  	(v2sf) =	vpush v12, $0x8;
	_ =	sdelay $0xe  }
0x159: {  	s15 =	spop (v2sf)  }
0x15a: {  	p0 =	slt.s32 s15, $0x1  }
0x15b: {  	(v2sf) =	vpush @!p0 v11, $0x8;
	_ =	sdelay $0x1  }
0x15c: {  	s16 =	sshll.u32 @!p0 s14, $0x8  }
0x15d: {  	v14 =	vld @!p0 [tilespmem:s16+$0x80];
	_ =	sdelay $0x4  }
0x15e: {  	v13 =	vshrl.u32 @!p0 v14, $0xF  }
0x15f: {  	vm0 =	veq.s32 @!p0 v13, v1  }
0x160: {  	v14 =	vand.u32 @!p0 $0x7FFF, v14  }
0x161: {  	p1 =	seq.s32 @!p0 s15, $0x1  }
0x162: {  	p1 =	por p0, p1  }
.Ltmp22:
0x163: {  	v15 =	vlaneseq.u32 @!p0;
	s16 =	sor.u32 @!p0 $0x80, s16;
	(pc) =	sbr.rel @p1 .LBB2_24-.Ltmp22, $4  }
0x164: {  	v15 =	vor.u32 @!p0 s16, v15;
	s16 =	simm.s32 @!p0 $0x4000  }
0x165: {  	[tilespmem:v14+s16+$0x0] =	vst.idx.msk @!p0 vm0, v15;
	s17 =	spop @!p0 (v2sf)  }
0x166: {  	[tilespmem:s17+$0xC000] =	vst.msk @!p0 vm0, v15  }
0x167: {  	[tilespmem:s17+$0x10080] =	vst.msk @!p0 vm0, v14  }
.LBB2_23:
0x168: {  	vm0 =	veq.s32 v13, v1;
	_ =	sdelay $0x5  }
0x169: {  	v16 =	vld.idx.msk [tilespmem:v14+s11+$0x0], vm0;
	_ =	sdelay $0x4  }
0x16a: {  	vm1 =	vgt.s32 v15, v16  }
0x16b: {  	vm0 =	vmand vm0, vm1  }
0x16c: {  	v16 =	vmpcnt.ones.xlane vm0;
	_ =	sdelay $0x1  }
0x16d: {  	(v2sf) =	vpush v16, $0x0;
	_ =	sdelay $0xe  }
0x16e: {  	s15 =	spop (v2sf)  }
0x16f: {  	p0 =	sgt.s32 s15, $0x0  }
.Ltmp23:
0x170: {  	_ = 	snop;
	(pc) =	sbr.rel @p0 .LBB2_23-.Ltmp23, $2  }
0x171: {  	_ =	sdelay $0x2  }
0x172: {  	[tilespmem:v14+s11+$0x0] =	vst.idx.msk vm0, v15  }
.LBB2_24:
0x173: {  	(v2sf) =	vpush v12, $0x9;
	_ =	sdelay $0xe  }
0x174: {  	s15 =	spop (v2sf)  }
0x175: {  	p0 =	slt.s32 s15, $0x1  }
0x176: {  	(v2sf) =	vpush @!p0 v11, $0x9;
	_ =	sdelay $0x1  }
0x177: {  	s16 =	sshll.u32 @!p0 s14, $0x8  }
0x178: {  	v14 =	vld @!p0 [tilespmem:s16+$0x90];
	_ =	sdelay $0x4  }
0x179: {  	v13 =	vshrl.u32 @!p0 v14, $0xF  }
0x17a: {  	vm0 =	veq.s32 @!p0 v13, v1  }
0x17b: {  	v14 =	vand.u32 @!p0 $0x7FFF, v14  }
0x17c: {  	p1 =	seq.s32 @!p0 s15, $0x1  }
0x17d: {  	p1 =	por p0, p1  }
.Ltmp24:
0x17e: {  	v15 =	vlaneseq.u32 @!p0;
	s16 =	sor.u32 @!p0 $0x90, s16;
	(pc) =	sbr.rel @p1 .LBB2_26-.Ltmp24, $4  }
0x17f: {  	v15 =	vor.u32 @!p0 s16, v15;
	s16 =	simm.s32 @!p0 $0x4000  }
0x180: {  	[tilespmem:v14+s16+$0x0] =	vst.idx.msk @!p0 vm0, v15;
	s17 =	spop @!p0 (v2sf)  }
0x181: {  	[tilespmem:s17+$0xC000] =	vst.msk @!p0 vm0, v15  }
0x182: {  	[tilespmem:s17+$0x10080] =	vst.msk @!p0 vm0, v14  }
.LBB2_25:
0x183: {  	vm0 =	veq.s32 v13, v1;
	_ =	sdelay $0x5  }
0x184: {  	v16 =	vld.idx.msk [tilespmem:v14+s11+$0x0], vm0;
	_ =	sdelay $0x4  }
0x185: {  	vm1 =	vgt.s32 v15, v16  }
0x186: {  	vm0 =	vmand vm0, vm1  }
0x187: {  	v16 =	vmpcnt.ones.xlane vm0;
	_ =	sdelay $0x1  }
0x188: {  	(v2sf) =	vpush v16, $0x0;
	_ =	sdelay $0xe  }
0x189: {  	s15 =	spop (v2sf)  }
0x18a: {  	p0 =	sgt.s32 s15, $0x0  }
.Ltmp25:
0x18b: {  	_ = 	snop;
	(pc) =	sbr.rel @p0 .LBB2_25-.Ltmp25, $2  }
0x18c: {  	_ =	sdelay $0x2  }
0x18d: {  	[tilespmem:v14+s11+$0x0] =	vst.idx.msk vm0, v15  }
.LBB2_26:
0x18e: {  	(v2sf) =	vpush v12, $0xA;
	_ =	sdelay $0xe  }
0x18f: {  	s15 =	spop (v2sf)  }
0x190: {  	p0 =	slt.s32 s15, $0x1  }
0x191: {  	(v2sf) =	vpush @!p0 v11, $0xA;
	_ =	sdelay $0x1  }
0x192: {  	s16 =	sshll.u32 @!p0 s14, $0x8  }
0x193: {  	v14 =	vld @!p0 [tilespmem:s16+$0xA0];
	_ =	sdelay $0x4  }
0x194: {  	v13 =	vshrl.u32 @!p0 v14, $0xF  }
0x195: {  	vm0 =	veq.s32 @!p0 v13, v1  }
0x196: {  	v14 =	vand.u32 @!p0 $0x7FFF, v14  }
0x197: {  	p1 =	seq.s32 @!p0 s15, $0x1  }
0x198: {  	p1 =	por p0, p1  }
.Ltmp26:
0x199: {  	v15 =	vlaneseq.u32 @!p0;
	s16 =	sor.u32 @!p0 $0xA0, s16;
	(pc) =	sbr.rel @p1 .LBB2_28-.Ltmp26, $4  }
0x19a: {  	v15 =	vor.u32 @!p0 s16, v15;
	s16 =	simm.s32 @!p0 $0x4000  }
0x19b: {  	[tilespmem:v14+s16+$0x0] =	vst.idx.msk @!p0 vm0, v15;
	s17 =	spop @!p0 (v2sf)  }
0x19c: {  	[tilespmem:s17+$0xC000] =	vst.msk @!p0 vm0, v15  }
0x19d: {  	[tilespmem:s17+$0x10080] =	vst.msk @!p0 vm0, v14  }
.LBB2_27:
0x19e: {  	vm0 =	veq.s32 v13, v1;
	_ =	sdelay $0x5  }
0x19f: {  	v16 =	vld.idx.msk [tilespmem:v14+s11+$0x0], vm0;
	_ =	sdelay $0x4  }
0x1a0: {  	vm1 =	vgt.s32 v15, v16  }
0x1a1: {  	vm0 =	vmand vm0, vm1  }
0x1a2: {  	v16 =	vmpcnt.ones.xlane vm0;
	_ =	sdelay $0x1  }
0x1a3: {  	(v2sf) =	vpush v16, $0x0;
	_ =	sdelay $0xe  }
0x1a4: {  	s15 =	spop (v2sf)  }
0x1a5: {  	p0 =	sgt.s32 s15, $0x0  }
.Ltmp27:
0x1a6: {  	_ = 	snop;
	(pc) =	sbr.rel @p0 .LBB2_27-.Ltmp27, $2  }
0x1a7: {  	_ =	sdelay $0x2  }
0x1a8: {  	[tilespmem:v14+s11+$0x0] =	vst.idx.msk vm0, v15  }
.LBB2_28:
0x1a9: {  	(v2sf) =	vpush v12, $0xB;
	_ =	sdelay $0xe  }
0x1aa: {  	s15 =	spop (v2sf)  }
0x1ab: {  	p0 =	slt.s32 s15, $0x1  }
0x1ac: {  	(v2sf) =	vpush @!p0 v11, $0xB;
	_ =	sdelay $0x1  }
0x1ad: {  	s16 =	sshll.u32 @!p0 s14, $0x8  }
0x1ae: {  	v14 =	vld @!p0 [tilespmem:s16+$0xB0];
	_ =	sdelay $0x4  }
0x1af: {  	v13 =	vshrl.u32 @!p0 v14, $0xF  }
0x1b0: {  	vm0 =	veq.s32 @!p0 v13, v1  }
0x1b1: {  	v14 =	vand.u32 @!p0 $0x7FFF, v14  }
0x1b2: {  	p1 =	seq.s32 @!p0 s15, $0x1  }
0x1b3: {  	p1 =	por p0, p1  }
.Ltmp28:
0x1b4: {  	v15 =	vlaneseq.u32 @!p0;
	s16 =	sor.u32 @!p0 $0xB0, s16;
	(pc) =	sbr.rel @p1 .LBB2_30-.Ltmp28, $4  }
0x1b5: {  	v15 =	vor.u32 @!p0 s16, v15;
	s16 =	simm.s32 @!p0 $0x4000  }
0x1b6: {  	[tilespmem:v14+s16+$0x0] =	vst.idx.msk @!p0 vm0, v15;
	s17 =	spop @!p0 (v2sf)  }
0x1b7: {  	[tilespmem:s17+$0xC000] =	vst.msk @!p0 vm0, v15  }
0x1b8: {  	[tilespmem:s17+$0x10080] =	vst.msk @!p0 vm0, v14  }
.LBB2_29:
0x1b9: {  	vm0 =	veq.s32 v13, v1;
	_ =	sdelay $0x5  }
0x1ba: {  	v16 =	vld.idx.msk [tilespmem:v14+s11+$0x0], vm0;
	_ =	sdelay $0x4  }
0x1bb: {  	vm1 =	vgt.s32 v15, v16  }
0x1bc: {  	vm0 =	vmand vm0, vm1  }
0x1bd: {  	v16 =	vmpcnt.ones.xlane vm0;
	_ =	sdelay $0x1  }
0x1be: {  	(v2sf) =	vpush v16, $0x0;
	_ =	sdelay $0xe  }
0x1bf: {  	s15 =	spop (v2sf)  }
0x1c0: {  	p0 =	sgt.s32 s15, $0x0  }
.Ltmp29:
0x1c1: {  	_ = 	snop;
	(pc) =	sbr.rel @p0 .LBB2_29-.Ltmp29, $2  }
0x1c2: {  	_ =	sdelay $0x2  }
0x1c3: {  	[tilespmem:v14+s11+$0x0] =	vst.idx.msk vm0, v15  }
.LBB2_30:
0x1c4: {  	(v2sf) =	vpush v12, $0xC;
	_ =	sdelay $0xe  }
0x1c5: {  	s15 =	spop (v2sf)  }
0x1c6: {  	p0 =	slt.s32 s15, $0x1  }
0x1c7: {  	(v2sf) =	vpush @!p0 v11, $0xC;
	_ =	sdelay $0x1  }
0x1c8: {  	s16 =	sshll.u32 @!p0 s14, $0x8  }
0x1c9: {  	v14 =	vld @!p0 [tilespmem:s16+$0xC0];
	_ =	sdelay $0x4  }
0x1ca: {  	v13 =	vshrl.u32 @!p0 v14, $0xF  }
0x1cb: {  	vm0 =	veq.s32 @!p0 v13, v1  }
0x1cc: {  	v14 =	vand.u32 @!p0 $0x7FFF, v14  }
0x1cd: {  	p1 =	seq.s32 @!p0 s15, $0x1  }
0x1ce: {  	p1 =	por p0, p1  }
.Ltmp30:
0x1cf: {  	v15 =	vlaneseq.u32 @!p0;
	s16 =	sor.u32 @!p0 $0xC0, s16;
	(pc) =	sbr.rel @p1 .LBB2_32-.Ltmp30, $4  }
0x1d0: {  	v15 =	vor.u32 @!p0 s16, v15;
	s16 =	simm.s32 @!p0 $0x4000  }
0x1d1: {  	[tilespmem:v14+s16+$0x0] =	vst.idx.msk @!p0 vm0, v15;
	s17 =	spop @!p0 (v2sf)  }
0x1d2: {  	[tilespmem:s17+$0xC000] =	vst.msk @!p0 vm0, v15  }
0x1d3: {  	[tilespmem:s17+$0x10080] =	vst.msk @!p0 vm0, v14  }
.LBB2_31:
0x1d4: {  	vm0 =	veq.s32 v13, v1;
	_ =	sdelay $0x5  }
0x1d5: {  	v16 =	vld.idx.msk [tilespmem:v14+s11+$0x0], vm0;
	_ =	sdelay $0x4  }
0x1d6: {  	vm1 =	vgt.s32 v15, v16  }
0x1d7: {  	vm0 =	vmand vm0, vm1  }
0x1d8: {  	v16 =	vmpcnt.ones.xlane vm0;
	_ =	sdelay $0x1  }
0x1d9: {  	(v2sf) =	vpush v16, $0x0;
	_ =	sdelay $0xe  }
0x1da: {  	s15 =	spop (v2sf)  }
0x1db: {  	p0 =	sgt.s32 s15, $0x0  }
.Ltmp31:
0x1dc: {  	_ = 	snop;
	(pc) =	sbr.rel @p0 .LBB2_31-.Ltmp31, $2  }
0x1dd: {  	_ =	sdelay $0x2  }
0x1de: {  	[tilespmem:v14+s11+$0x0] =	vst.idx.msk vm0, v15  }
.LBB2_32:
0x1df: {  	(v2sf) =	vpush v12, $0xD;
	_ =	sdelay $0xe  }
0x1e0: {  	s15 =	spop (v2sf)  }
0x1e1: {  	p0 =	slt.s32 s15, $0x1  }
0x1e2: {  	(v2sf) =	vpush @!p0 v11, $0xD;
	_ =	sdelay $0x1  }
0x1e3: {  	s16 =	sshll.u32 @!p0 s14, $0x8  }
0x1e4: {  	v14 =	vld @!p0 [tilespmem:s16+$0xD0];
	_ =	sdelay $0x4  }
0x1e5: {  	v13 =	vshrl.u32 @!p0 v14, $0xF  }
0x1e6: {  	vm0 =	veq.s32 @!p0 v13, v1  }
0x1e7: {  	v14 =	vand.u32 @!p0 $0x7FFF, v14  }
0x1e8: {  	p1 =	seq.s32 @!p0 s15, $0x1  }
0x1e9: {  	p1 =	por p0, p1  }
.Ltmp32:
0x1ea: {  	v15 =	vlaneseq.u32 @!p0;
	s16 =	sor.u32 @!p0 $0xD0, s16;
	(pc) =	sbr.rel @p1 .LBB2_34-.Ltmp32, $4  }
0x1eb: {  	v15 =	vor.u32 @!p0 s16, v15;
	s16 =	simm.s32 @!p0 $0x4000  }
0x1ec: {  	[tilespmem:v14+s16+$0x0] =	vst.idx.msk @!p0 vm0, v15;
	s17 =	spop @!p0 (v2sf)  }
0x1ed: {  	[tilespmem:s17+$0xC000] =	vst.msk @!p0 vm0, v15  }
0x1ee: {  	[tilespmem:s17+$0x10080] =	vst.msk @!p0 vm0, v14  }
.LBB2_33:
0x1ef: {  	vm0 =	veq.s32 v13, v1;
	_ =	sdelay $0x5  }
0x1f0: {  	v16 =	vld.idx.msk [tilespmem:v14+s11+$0x0], vm0;
	_ =	sdelay $0x4  }
0x1f1: {  	vm1 =	vgt.s32 v15, v16  }
0x1f2: {  	vm0 =	vmand vm0, vm1  }
0x1f3: {  	v16 =	vmpcnt.ones.xlane vm0;
	_ =	sdelay $0x1  }
0x1f4: {  	(v2sf) =	vpush v16, $0x0;
	_ =	sdelay $0xe  }
0x1f5: {  	s15 =	spop (v2sf)  }
0x1f6: {  	p0 =	sgt.s32 s15, $0x0  }
.Ltmp33:
0x1f7: {  	_ = 	snop;
	(pc) =	sbr.rel @p0 .LBB2_33-.Ltmp33, $2  }
0x1f8: {  	_ =	sdelay $0x2  }
0x1f9: {  	[tilespmem:v14+s11+$0x0] =	vst.idx.msk vm0, v15  }
.LBB2_34:
0x1fa: {  	(v2sf) =	vpush v12, $0xE;
	_ =	sdelay $0xe  }
0x1fb: {  	s15 =	spop (v2sf)  }
0x1fc: {  	p0 =	slt.s32 s15, $0x1  }
0x1fd: {  	(v2sf) =	vpush @!p0 v11, $0xE;
	_ =	sdelay $0x1  }
0x1fe: {  	s16 =	sshll.u32 @!p0 s14, $0x8  }
0x1ff: {  	v14 =	vld @!p0 [tilespmem:s16+$0xE0];
	_ =	sdelay $0x4  }
0x200: {  	v13 =	vshrl.u32 @!p0 v14, $0xF  }
0x201: {  	vm0 =	veq.s32 @!p0 v13, v1  }
0x202: {  	v14 =	vand.u32 @!p0 $0x7FFF, v14  }
0x203: {  	p1 =	seq.s32 @!p0 s15, $0x1  }
0x204: {  	p1 =	por p0, p1  }
.Ltmp34:
0x205: {  	v15 =	vlaneseq.u32 @!p0;
	s16 =	sor.u32 @!p0 $0xE0, s16;
	(pc) =	sbr.rel @p1 .LBB2_36-.Ltmp34, $4  }
0x206: {  	v15 =	vor.u32 @!p0 s16, v15;
	s16 =	simm.s32 @!p0 $0x4000  }
0x207: {  	[tilespmem:v14+s16+$0x0] =	vst.idx.msk @!p0 vm0, v15;
	s17 =	spop @!p0 (v2sf)  }
0x208: {  	[tilespmem:s17+$0xC000] =	vst.msk @!p0 vm0, v15  }
0x209: {  	[tilespmem:s17+$0x10080] =	vst.msk @!p0 vm0, v14  }
.LBB2_35:
0x20a: {  	vm0 =	veq.s32 v13, v1;
	_ =	sdelay $0x5  }
0x20b: {  	v16 =	vld.idx.msk [tilespmem:v14+s11+$0x0], vm0;
	_ =	sdelay $0x4  }
0x20c: {  	vm1 =	vgt.s32 v15, v16  }
0x20d: {  	vm0 =	vmand vm0, vm1  }
0x20e: {  	v16 =	vmpcnt.ones.xlane vm0;
	_ =	sdelay $0x1  }
0x20f: {  	(v2sf) =	vpush v16, $0x0;
	_ =	sdelay $0xe  }
0x210: {  	s15 =	spop (v2sf)  }
0x211: {  	p0 =	sgt.s32 s15, $0x0  }
.Ltmp35:
0x212: {  	_ = 	snop;
	(pc) =	sbr.rel @p0 .LBB2_35-.Ltmp35, $2  }
0x213: {  	_ =	sdelay $0x2  }
0x214: {  	[tilespmem:v14+s11+$0x0] =	vst.idx.msk vm0, v15  }
.LBB2_36:
0x215: {  	(v2sf) =	vpush v12, $0xF;
	_ =	sdelay $0xe  }
0x216: {  	s15 =	spop (v2sf)  }
0x217: {  	p0 =	slt.s32 s15, $0x1  }
0x218: {  	(v2sf) =	vpush @!p0 v11, $0xF;
	_ =	sdelay $0x1  }
0x219: {  	s16 =	sshll.u32 @!p0 s14, $0x8  }
0x21a: {  	v12 =	vld @!p0 [tilespmem:s16+$0xF0];
	_ =	sdelay $0x4  }
0x21b: {  	v11 =	vshrl.u32 @!p0 v12, $0xF  }
0x21c: {  	vm0 =	veq.s32 @!p0 v11, v1  }
0x21d: {  	v12 =	vand.u32 @!p0 $0x7FFF, v12  }
0x21e: {  	p1 =	seq.s32 @!p0 s15, $0x1  }
0x21f: {  	p1 =	por p0, p1  }
.Ltmp36:
0x220: {  	v13 =	vlaneseq.u32 @!p0;
	s16 =	sor.u32 @!p0 $0xF0, s16;
	(pc) =	sbr.rel @p1 .LBB2_38-.Ltmp36, $4  }
0x221: {  	v13 =	vor.u32 @!p0 s16, v13;
	s16 =	simm.s32 @!p0 $0x4000  }
0x222: {  	[tilespmem:v12+s16+$0x0] =	vst.idx.msk @!p0 vm0, v13;
	s17 =	spop @!p0 (v2sf)  }
0x223: {  	[tilespmem:s17+$0xC000] =	vst.msk @!p0 vm0, v13  }
0x224: {  	[tilespmem:s17+$0x10080] =	vst.msk @!p0 vm0, v12  }
.LBB2_37:
0x225: {  	vm0 =	veq.s32 v11, v1;
	_ =	sdelay $0x5  }
0x226: {  	v14 =	vld.idx.msk [tilespmem:v12+s11+$0x0], vm0;
	_ =	sdelay $0x4  }
0x227: {  	vm1 =	vgt.s32 v13, v14  }
0x228: {  	vm0 =	vmand vm0, vm1  }
0x229: {  	v14 =	vmpcnt.ones.xlane vm0;
	_ =	sdelay $0x1  }
0x22a: {  	(v2sf) =	vpush v14, $0x0;
	_ =	sdelay $0xe  }
0x22b: {  	s15 =	spop (v2sf)  }
0x22c: {  	p0 =	sgt.s32 s15, $0x0  }
.Ltmp37:
0x22d: {  	_ = 	snop;
	(pc) =	sbr.rel @p0 .LBB2_37-.Ltmp37, $2  }
0x22e: {  	_ =	sdelay $0x2  }
0x22f: {  	[tilespmem:v12+s11+$0x0] =	vst.idx.msk vm0, v13  }
.Ltmp38:
0x230: {  	_ = 	snop;
	(pc) =	sbr.rel .LBB2_38-.Ltmp38, $1  }
0x231: {  	_ =	sdelay $0x3  }
.LBB2_39:
0x232: {  	s14 =	sadd.s32 $0xF, s13  }
0x233: {  	s15 =	sshrl.u32 s14, $0x4  }
0x234: {  	p0 =	seq.s32 s15, $0x0  }
.Ltmp39:
0x235: {  	_ = 	snop;
	(pc) =	sbr.rel @p0 .LBB2_43-.Ltmp39, $2  }
0x236: {  	_ =	sdelay $0x2  }
0x237: {  	[tilespmem:s13+$0x10080] =	vst v10;
	s14 =	simm.s32 $0x10080  }
0x238: {  	p0 =	sne.s32 s15, $0x1  }
.Ltmp40:
0x239: {  	_ = 	snop;
	(pc) =	sbr.rel @!p0 .LBB2_42-.Ltmp40, $2  }
0x23a: {  	_ =	sdelay $0x2  }
0x23b: {  	v11 =	vld [tilespmem:s14+$0x0];
	s15 =	sadd.s32 $0xFFFFFFFF, s15  }
.LBB2_41:
0x23c: {  	p0 =	sne.s32 s15, $0x1;
	_ =	sdelay $0x6  }
0x23d: {  	v11 =	vld.idx.msk [tilespmem:v11+s11+$0x0], $0xffff;
	_ =	sdelay $0x2  }
.Ltmp41:
0x23e: {  	(pc) =	sbr.rel @p0 .LBB2_41-.Ltmp41, $3  }
0x23f: {  	_ =	sdelay $0x1  }
0x240: {  	[tilespmem:s14+$0x0] =	vst v11;
	s14 =	sadd.s32 $0x10, s14  }
0x241: {  	s15 =	sadd.s32 $0xFFFFFFFF, s15;
	v11 =	vld [tilespmem:s14+$0x0]  }
.LBB2_42:
0x242: {  	_ =	sdelay $0x7  }
0x243: {  	v11 =	vld.idx.msk [tilespmem:v11+s11+$0x0], $0xffff;
	_ =	sdelay $0x4  }
0x244: {  	[tilespmem:s14+$0x0] =	vst v11  }
.LBB2_43:
0x245: {  	[tilespmem:s13+$0x10080] =	vst v2  }
0x246: {  	[tilespmem:s13+$0x10090] =	vst v3  }
0x247: {  	[tilespmem:s13+$0x100A0] =	vst v4  }
0x248: {  	[tilespmem:s13+$0x100B0] =	vst v5  }
0x249: {  	[tilespmem:s13+$0x100C0] =	vst v6  }
0x24a: {  	[tilespmem:s13+$0x100D0] =	vst v7  }
0x24b: {  	[tilespmem:s13+$0x100E0] =	vst v8  }
0x24c: {  	v11 =	vor.u32 $0x4000, v0;
	[tilespmem:s13+$0x100F0] =	vst v9  }
0x24d: {  	s14 =	sadd.s32 $0x7F, s13;
	[tilespmem:s13+$0xC000] =	vst v11;
	v11 =	vor.u32 $0x4010, v0  }
0x24e: {  	s15 =	sshrl.u32 s14, $0x7;
	[tilespmem:s13+$0xC010] =	vst v11;
	v11 =	vor.u32 $0x4020, v0  }
0x24f: {  	p0 =	seq.s32 s15, $0x0;
	[tilespmem:s13+$0xC020] =	vst v11;
	v11 =	vor.u32 $0x4030, v0  }
.Ltmp42:
0x250: {  	[tilespmem:s13+$0xC030] =	vst v11;
	v11 =	vor.u32 $0x4040, v0;
	(pc) =	sbr.rel @p0 .LBB2_47-.Ltmp42, $4  }
0x251: {  	[tilespmem:s13+$0xC040] =	vst v11;
	v11 =	vor.u32 $0x4050, v0  }
0x252: {  	[tilespmem:s13+$0xC050] =	vst v11;
	v11 =	vor.u32 $0x4060, v0  }
0x253: {  	[tilespmem:s13+$0xC060] =	vst v11;
	v11 =	vor.u32 $0x4070, v0  }
0x254: {  	[tilespmem:s13+$0xC070] =	vst v11  }
0x255: {  	s13 =	simm.s32 $0x10080  }
0x256: {  	[tilespmem:s9], [sflag:$0x1] =	stream.indirect.gather [hbm4b:s2+s8], $0x40, s13, s8, $0xb8;
	[tilespmem:$0x16920] =	vst v63  }
0x257: {  	p0 =	sne.s32 s15, $0x1;
	_ =	swait.ge [sflag:s10], $0x2000  }
.Ltmp43:
0x258: {  	[sflag:s10] =	ssyncset.done $0x0;
	(pc) =	sbr.rel @!p0 .LBB2_46-.Ltmp43, $4  }
0x259: {  	s14 =	simm.s32 $0xC000;
	[sflag:s10] =	ssyncadd.s32 $0xFFFFE000  }
0x25a: {  	[hbm4b:s4+s8] =	stream.indirect.scatter [tilespmem:s9], [sflag:$0x1], $0x40, s14, s8, $0xb8;
	[tilespmem:$0x16920] =	vst v63  }
0x25b: {  	_ =	swait.ge [sflag:s10], $0x2000  }
0x25c: {  	s15 =	sadd.s32 $0xFFFFFFFF, s15;
	[sflag:s10] =	ssyncset.done $0x0  }
.LBB2_45:
0x25d: {  	[sflag:s10] =	ssyncadd.s32 $0xFFFFE000;
	s13 =	sadd.s32 $0x80, s13;
	s14 =	sadd.s32 $0x80, s14  }
0x25e: {  	[tilespmem:s9], [sflag:$0x1] =	stream.indirect.gather [hbm4b:s2+s8], $0x40, s13, s8, $0xb8;
	[tilespmem:$0x16920] =	vst v63  }
0x25f: {  	p0 =	sne.s32 s15, $0x1;
	s15 =	sadd.s32 $0xFFFFFFFF, s15;
	_ =	swait.ge [sflag:s10], $0x2000  }
.Ltmp44:
0x260: {  	[sflag:s10] =	ssyncset.done $0x0;
	(pc) =	sbr.rel @p0 .LBB2_45-.Ltmp44, $4  }
0x261: {  	[sflag:s10] =	ssyncadd.s32 $0xFFFFE000  }
0x262: {  	[hbm4b:s4+s8] =	stream.indirect.scatter [tilespmem:s9], [sflag:$0x1], $0x40, s14, s8, $0xb8;
	[tilespmem:$0x16920] =	vst v63  }
0x263: {  	_ =	swait.ge [sflag:s10], $0x2000  }
0x264: {  	[sflag:s10] =	ssyncset.done $0x0  }
.Ltmp45:
0x265: {  	_ = 	snop;
	(pc) =	sbr.rel .LBB2_46-.Ltmp45, $1  }
0x266: {  	_ =	sdelay $0x3  }
.LBB2_48:
0x267: {  	_ =	sfence.sel $0x180000  }
0x268: {  	[bflag:$0x0] =	sbarrier.arrive $0xFFFF  }
0x269: {  	p0 =	sne.s32 s0, $0x0;
	_ =	strace $0x90000047  }
0x26a: {  	s0 =	sadd.s32 @!p0 $0x100000, s3;
	[bflag:$0x2] =	sbarrier.arrive $0xFFFF  }
0x26b: {  	[sflag:s0] =	ssyncadd.tile.s32 @!p0 $0x1;
	_ =	shalt  }
.Lfunc_end2:
_tile_overlayer_lowered:
.L_overlay_start_2:
0x26c: {  	(tag) =	ssettag $0x2  }
0x26d: {  	s0 =	rddreg [dreg:$0x0];
	s2 =	stileid.u32  }
0x26e: {  	s1 =	rddreg [dreg:$0x1];
	p0 =	sne.s32 s2, $0x0  }
0x26f: {  	s3 =	rddreg [dreg:$0x2];
	[bflag:$0x3] =	sbarrier.arrive $0xFFFF;
	s2 =	simm.s32 @!p0 $0x1C02  }
0x270: {  	[timem:s3], [sflag:s2] =	dma.local @!p0 [hbm:s0], s1  }
0x271: {  	s0 =	simm.s32 @!p0 $0x2  }
0x272: {  	_ =	swait.ge @!p0 [sflag:s0], s1  }
0x273: {  	s1 =	ssub.s32 @!p0 $0x0, s1;
	[sflag:s0] =	ssyncset.done @!p0 $0x0  }
0x274: {  	[sflag:s0] =	ssyncadd.s32 @!p0 s1  }
0x275: {  	[bflag:$0x3] =	sbarrier.arrive $0xFFFF  }
0x276: {  	_ =	shalt  }

</sc_bundles>
